<compile_context>
chip_gen: v7x
topology: tpu7x:2x2x1
jax: 0.10.2.dev20260603
libtpu: 0.0.44.dev20260713+nightly
codegen_flags: <defaults>
</compile_context>

<pallas_src>
import functools

import jax
import jax.numpy as jnp
from jax import lax
from jax.experimental import pallas as pl
from jax.experimental.pallas import tpu as pltpu
from jax.experimental.pallas import tpu_sc as plsc

_N_TOK = 8192
_N_CODES = 8192
_DIM = 32
_TM = 1024
_TK = 2048

_SC_CORES = 2
_SC_SUBCORES = 16
_SC_WORKERS = _SC_CORES * _SC_SUBCORES
_GATHER_W = 128


def _nearest_code_kernel(flat_ref, cbt_ref, a2_ref, b2_ref, idx_ref):
    flat = flat_ref[...]
    a2 = a2_ref[...]
    best_val = None
    best_idx = None
    for ci in range(_N_CODES // _TK):
        off = ci * _TK
        cbt_c = cbt_ref[:, off:off + _TK]
        dot = lax.dot_general(flat, cbt_c, (((1,), (0,)), ((), ())),
                              preferred_element_type=jnp.float32)
        dist = jnp.sqrt(jnp.clip(a2 + b2_ref[:, off:off + _TK] - 2.0 * dot,
                                 0.0, None))
        best_v = dist[:, 0:128]
        best_c = jnp.zeros((_TM, 128), jnp.int32)
        for c in range(1, _TK // 128):
            v = dist[:, c * 128:(c + 1) * 128]
            lt = v < best_v
            best_v = jnp.where(lt, v, best_v)
            best_c = jnp.where(lt, jnp.int32(c), best_c)
        m = jnp.min(best_v, axis=1, keepdims=True)
        lane = lax.broadcasted_iota(jnp.int32, (_TM, 128), 1)
        idxs = best_c * 128 + lane + off
        cand = jnp.where(best_v == m, idxs, jnp.int32(_N_CODES))
        arg = jnp.min(cand, axis=1, keepdims=True)
        m_bf = m.astype(jnp.bfloat16).astype(jnp.float32)
        if best_val is None:
            best_val, best_idx = m_bf, arg
        else:
            take = m < best_val
            best_val = jnp.where(take, m_bf, best_val)
            best_idx = jnp.where(take, arg, best_idx)
    idx_ref[...] = best_idx


def _nearest_codes(flat_bf, cbt_bf, a2, b2):
    return pl.pallas_call(
        _nearest_code_kernel,
        grid=(_N_TOK // _TM,),
        in_specs=[
            pl.BlockSpec((_TM, _DIM), lambda i: (i, 0)),
            pl.BlockSpec((_DIM, _N_CODES), lambda i: (0, 0)),
            pl.BlockSpec((_TM, 1), lambda i: (i, 0)),
            pl.BlockSpec((1, _N_CODES), lambda i: (0, 0)),
        ],
        out_specs=pl.BlockSpec((_TM, 1), lambda i: (i, 0)),
        out_shape=jax.ShapeDtypeStruct((_N_TOK, 1), jnp.int32),
    )(flat_bf, cbt_bf, a2, b2)


def _sc_gather(codebook_padded, idx):
    mesh = plsc.VectorSubcoreMesh(core_axis_name="c", subcore_axis_name="s")
    b_per_w = _N_TOK // _SC_WORKERS

    @functools.partial(
        pl.kernel, mesh=mesh,
        out_type=jax.ShapeDtypeStruct((_N_TOK, _GATHER_W), jnp.float32),
        scratch_types=[
            pltpu.VMEM((b_per_w,), jnp.int32),
            pltpu.VMEM((b_per_w, _GATHER_W), jnp.float32),
            pltpu.SemaphoreType.DMA,
        ],
    )
    def k(table_hbm, idx_hbm, out_hbm, idx_v, rows_v, sem):
        wid = lax.axis_index("s") * _SC_CORES + lax.axis_index("c")
        base = wid * b_per_w
        pltpu.sync_copy(idx_hbm.at[pl.ds(base, b_per_w)], idx_v)
        pltpu.async_copy(table_hbm.at[idx_v], rows_v, sem).wait()
        pltpu.sync_copy(rows_v, out_hbm.at[pl.ds(base, b_per_w)])

    return k(codebook_padded, idx)


def kernel(hidden_states, codebook):
    hs = jnp.transpose(hidden_states, (0, 2, 3, 1))
    flat = hs.reshape(-1, codebook.shape[1])
    a2 = jnp.sum(flat * flat, axis=1, keepdims=True)
    b2 = jnp.sum(codebook * codebook, axis=1)[None, :]
    flat_bf = flat.astype(jnp.bfloat16)
    cbt_bf = codebook.astype(jnp.bfloat16).T
    idx = _nearest_codes(flat_bf, cbt_bf, a2, b2).reshape(_N_TOK)
    cb_pad = jnp.pad(codebook, ((0, 0), (0, _GATHER_W - _DIM)))
    z_q = _sc_gather(cb_pad, idx)[:, :_DIM]
    z_q = jnp.transpose(z_q.reshape(hs.shape), (0, 3, 1, 2))
    return (z_q, idx.reshape(hidden_states.shape[0], -1))

# --- scband reference (transcript-rebuilt; emitter-appended) ---
"""Pipeline reference for scband-vector-quantizer-21620865368701 (READ-ONLY COPY).

The authoritative reference and input builder live on the scoring server;
editing this copy changes nothing except your own understanding.
"""

import jax, jax.numpy as jnp
import numpy as np

NUM_EMBEDDINGS = 8192
EMBEDDING_DIM = 32


def setup_inputs(seed: int = 0) -> dict:
    key = jax.random.key(seed)
    k1, k2 = jax.random.split(key)
    hidden_states = jax.random.normal(k1, (8, 32, 32, 32), dtype=jnp.float32)
    codebook = jax.random.uniform(
        k2, (NUM_EMBEDDINGS, EMBEDDING_DIM), dtype=jnp.float32,
        minval=-1.0 / NUM_EMBEDDINGS, maxval=1.0 / NUM_EMBEDDINGS)
    return {"hidden_states": hidden_states, "codebook": codebook}


def reference(hidden_states, codebook):
    # (B, C, H, W) -> (B, H, W, C)
    hs = jnp.transpose(hidden_states, (0, 2, 3, 1))
    flat = hs.reshape(-1, codebook.shape[1])
    # torch.cdist (euclidean) via expansion, clipped for numerical safety
    a2 = jnp.sum(flat * flat, axis=1, keepdims=True)
    b2 = jnp.sum(codebook * codebook, axis=1)[None, :]
    d2 = jnp.clip(a2 + b2 - 2.0 * (flat @ codebook.T), 0.0, None)
    distances = jnp.sqrt(d2)
    min_encoding_indices = jnp.argmin(distances, axis=1)
    # one-hot scatter + matmul with codebook (faithful to torch scatter_ + matmul)
    min_encodings = jax.nn.one_hot(min_encoding_indices, codebook.shape[0], dtype=hs.dtype)
    z_q = (min_encodings @ codebook).reshape(hs.shape)
    indices_out = min_encoding_indices.reshape(hs.shape[0], -1)
    z_q = jnp.transpose(z_q, (0, 3, 1, 2))
    return (z_q, indices_out)

if __name__ == "__main__":
    import jax
    _d = setup_inputs()
    print(jax.jit(kernel)(*tuple(_d.values())))

</pallas_src>

<mosaic_0001>
#map = affine_map<(d0, d1) -> (0, 0)>
#map1 = affine_map<(d0, d1) -> (0)>
module attributes {stable_mosaic.version = 14 : i64} {
  func.func @k(%arg0: i32, %arg1: i32, %arg2: memref<8192x128xf32, #tpu.memory_space<hbm>>, %arg3: memref<8192xi32, #tpu.memory_space<hbm>>, %arg4: memref<8192x128xf32, #tpu.memory_space<hbm>>, %arg5: memref<256xi32, #tpu.memory_space<vmem>>, %arg6: memref<256x128xf32, #tpu.memory_space<vmem>>, %arg7: memref<!tpu.dma_semaphore, #tpu.memory_space<semaphore_mem>>) attributes {dimension_semantics = [#tpu.dimension_semantics<core_parallel>, #tpu.dimension_semantics<subcore_parallel>], iteration_bounds = array<i64: 2, 16>, scalar_prefetch = 0 : i64, scratch_operands = 3 : i64, tpu.core_type = #tpu.core_type<sc_vector_subcore>, window_params = [{transform_indices = #map}, {transform_indices = #map1}, {transform_indices = #map}]} {
    %mul3A = arith.constant 2 : i32
    %mul3A_0 = arith.muli %arg1, %mul3A : i32
    %add3A = arith.addi %mul3A_0, %arg0 : i32
    %mul3A_1 = arith.constant 256 : i32
    %mul3A_2 = arith.muli %add3A, %mul3A_1 : i32
    "tpu.region"() ({
      %run_scoped3A = tpu.sem_alloc : memref<!tpu.dma_semaphore, #tpu.memory_space<semaphore_mem>>
      %dma_start3A_7 = tpu.memref_slice %arg3[%mul3A_2] : memref<8192xi32, #tpu.memory_space<hbm>> -> memref<256xi32, #tpu.memory_space<hbm>>
      %dma_start3A_8 = tpu.memref_slice %arg3[%mul3A_2] : memref<8192xi32, #tpu.memory_space<hbm>> -> memref<256xi32, #tpu.memory_space<hbm>>
      tpu.enqueue_dma source(%dma_start3A_8 : memref<256xi32, #tpu.memory_space<hbm>>) target(%arg5 : memref<256xi32, #tpu.memory_space<vmem>>) target_semaphore(%run_scoped3A : memref<!tpu.dma_semaphore, #tpu.memory_space<semaphore_mem>>)
      %dma_wait3A_9 = tpu.memref_slice %arg3[%mul3A_2] : memref<8192xi32, #tpu.memory_space<hbm>> -> memref<256xi32, #tpu.memory_space<hbm>>
      %dma_wait3A_10 = tpu.memref_slice %arg3[%mul3A_2] : memref<8192xi32, #tpu.memory_space<hbm>> -> memref<256xi32, #tpu.memory_space<hbm>>
      tpu.wait_dma2 semaphore(%run_scoped3A : memref<!tpu.dma_semaphore, #tpu.memory_space<semaphore_mem>>) src(%dma_wait3A_10 : memref<256xi32, #tpu.memory_space<hbm>>) dst(%arg5 : memref<256xi32, #tpu.memory_space<vmem>>)
      tpu.yield
    }) : () -> ()
    %dma_start3A = arith.constant 0 : i32
    %dma_start3A_3 = arith.constant 0 : i32
    %dma_start3A_4 = tpu.memref_slice %arg2[%dma_start3A, %dma_start3A_3] : memref<8192x128xf32, #tpu.memory_space<hbm>> -> memref<8192x128xf32, #tpu.memory_space<hbm>>
    tpu.enqueue_indirect_dma source(%dma_start3A_4 : memref<8192x128xf32, #tpu.memory_space<hbm>>) target(%arg6 : memref<256x128xf32, #tpu.memory_space<vmem>>) offsets(%arg5 : memref<256xi32, #tpu.memory_space<vmem>>) semaphore(%arg7 : memref<!tpu.dma_semaphore, #tpu.memory_space<semaphore_mem>>)
    %dma_wait3A = arith.constant 0 : i32
    %dma_wait3A_5 = arith.constant 0 : i32
    %dma_wait3A_6 = tpu.memref_slice %arg2[%dma_wait3A, %dma_wait3A_5] : memref<8192x128xf32, #tpu.memory_space<hbm>> -> memref<8192x128xf32, #tpu.memory_space<hbm>>
    tpu.wait_indirect_dma semaphore(%arg7 : memref<!tpu.dma_semaphore, #tpu.memory_space<semaphore_mem>>) src(%dma_wait3A_6 : memref<8192x128xf32, #tpu.memory_space<hbm>>) dst(%arg6 : memref<256x128xf32, #tpu.memory_space<vmem>>)
    "tpu.region"() ({
      %run_scoped3A = tpu.sem_alloc : memref<!tpu.dma_semaphore, #tpu.memory_space<semaphore_mem>>
      %dma_start3A_7 = arith.constant 0 : i32
      %dma_start3A_8 = tpu.memref_slice %arg4[%mul3A_2, %dma_start3A_7] : memref<8192x128xf32, #tpu.memory_space<hbm>> -> memref<256x128xf32, #tpu.memory_space<hbm>>
      %dma_start3A_9 = arith.constant 0 : i32
      %dma_start3A_10 = tpu.memref_slice %arg4[%mul3A_2, %dma_start3A_9] : memref<8192x128xf32, #tpu.memory_space<hbm>> -> memref<256x128xf32, #tpu.memory_space<hbm>>
      tpu.enqueue_dma source(%arg6 : memref<256x128xf32, #tpu.memory_space<vmem>>) target(%dma_start3A_10 : memref<256x128xf32, #tpu.memory_space<hbm>>) target_semaphore(%run_scoped3A : memref<!tpu.dma_semaphore, #tpu.memory_space<semaphore_mem>>)
      %dma_wait3A_11 = arith.constant 0 : i32
      %dma_wait3A_12 = tpu.memref_slice %arg4[%mul3A_2, %dma_wait3A_11] : memref<8192x128xf32, #tpu.memory_space<hbm>> -> memref<256x128xf32, #tpu.memory_space<hbm>>
      %dma_wait3A_13 = arith.constant 0 : i32
      %dma_wait3A_14 = tpu.memref_slice %arg4[%mul3A_2, %dma_wait3A_13] : memref<8192x128xf32, #tpu.memory_space<hbm>> -> memref<256x128xf32, #tpu.memory_space<hbm>>
      tpu.wait_dma2 semaphore(%run_scoped3A : memref<!tpu.dma_semaphore, #tpu.memory_space<semaphore_mem>>) src(%arg6 : memref<256x128xf32, #tpu.memory_space<vmem>>) dst(%dma_wait3A_14 : memref<256x128xf32, #tpu.memory_space<hbm>>)
      tpu.yield
    }) : () -> ()
    return
  }
}

module attributes {stable_mosaic.version = 14 : i64} {
  func.func @_nearest_code_kernel(%arg0: i32, %arg1: memref<1024x32xbf16, #tpu.memory_space<vmem>>, %arg2: memref<32x8192xbf16, #tpu.memory_space<vmem>>, %arg3: memref<1024x1xf32, #tpu.memory_space<vmem>>, %arg4: memref<1x8192xf32, #tpu.memory_space<vmem>>, %arg5: memref<1024x1xi32, #tpu.memory_space<vmem>>) attributes {dimension_semantics = [#tpu.dimension_semantics<arbitrary>], iteration_bounds = array<i64: 8>, scalar_prefetch = 0 : i64, scratch_operands = 0 : i64, tpu.core_type = #tpu.core_type<tc>, window_params = [{transform_indices = @transform_0, window_bounds = array<i64: 1024, 32>}, {pipeline_mode = #tpu.pipeline_mode<synchronous>, transform_indices = @transform_1, window_bounds = array<i64: 32, 8192>}, {transform_indices = @transform_2, window_bounds = array<i64: 1024, 1>}, {pipeline_mode = #tpu.pipeline_mode<synchronous>, transform_indices = @transform_3, window_bounds = array<i64: 1, 8192>}, {transform_indices = @transform_4, window_bounds = array<i64: 1024, 1>}]} {
    %get3A = arith.constant 0 : index
    %get3A_0 = arith.constant 0 : index
    %get3A_1 = vector.load %arg1[%get3A, %get3A_0] : memref<1024x32xbf16, #tpu.memory_space<vmem>>, vector<1024x32xbf16>
    %get3A_2 = arith.constant 0 : index
    %get3A_3 = arith.constant 0 : index
    %get3A_4 = vector.load %arg3[%get3A_2, %get3A_3] : memref<1024x1xf32, #tpu.memory_space<vmem>>, vector<1024x1xf32>
    %get3A_5 = arith.constant 0 : index
    %get3A_6 = arith.constant 0 : index
    %get3A_7 = vector.load %arg2[%get3A_5, %get3A_6] : memref<32x8192xbf16, #tpu.memory_space<vmem>>, vector<32x2048xbf16>
    %dot_general3A = arith.constant dense<0.000000e+00> : vector<1024x2048xf32>
    %dot_general3A_8 = tpu.matmul %get3A_1, %get3A_7, %dot_general3A {dimension_numbers = #tpu.dot_dimension_numbers<[1], [0], [0], [1], [0, 0, 1, 1], [], []>, transpose_lhs_hint = false} : vector<1024x32xbf16>, vector<32x2048xbf16>, vector<1024x2048xf32> -> vector<1024x2048xf32>
    %get3A_9 = arith.constant 0 : index
    %get3A_10 = arith.constant 0 : index
    %get3A_11 = vector.load %arg4[%get3A_9, %get3A_10] : memref<1x8192xf32, #tpu.memory_space<vmem>>, vector<1x2048xf32>
    %add3A = vector.broadcast %get3A_4 : vector<1024x1xf32> to vector<1024x2048xf32>
    %add3A_12 = vector.broadcast %get3A_11 : vector<1x2048xf32> to vector<1024x2048xf32>
    %add3A_13 = arith.addf %add3A, %add3A_12 : vector<1024x2048xf32>
    %mul3A = arith.constant 2.000000e+00 : f32
    %mul3A_14 = vector.broadcast %mul3A : f32 to vector<1024x2048xf32>
    %mul3A_15 = arith.mulf %mul3A_14, %dot_general3A_8 : vector<1024x2048xf32>
    %sub3A = arith.subf %add3A_13, %mul3A_15 : vector<1024x2048xf32>
    %jit3A = arith.constant 0.000000e+00 : f32
    %max3A = vector.broadcast %jit3A : f32 to vector<1024x2048xf32>
    %max3A_16 = arith.maximumf %max3A, %sub3A : vector<1024x2048xf32>
    %sqrt3A = math.sqrt %max3A_16 : vector<1024x2048xf32>
    %slice3A = vector.extract_strided_slice %sqrt3A {offsets = [0, 0], sizes = [1024, 128], strides = [1, 1]} : vector<1024x2048xf32> to vector<1024x128xf32>
    %broadcast_in_dim3A = arith.constant 0 : i32
    %broadcast_in_dim3A_17 = vector.broadcast %broadcast_in_dim3A : i32 to vector<1024x128xi32>
    %slice3A_18 = vector.extract_strided_slice %sqrt3A {offsets = [0, 128], sizes = [1024, 128], strides = [1, 1]} : vector<1024x2048xf32> to vector<1024x128xf32>
    %lt3A = arith.cmpf olt, %slice3A_18, %slice3A : vector<1024x128xf32>
    %select_n3A = arith.select %lt3A, %slice3A_18, %slice3A : vector<1024x128xi1>, vector<1024x128xf32>
    %jit3A_19 = arith.constant 1 : i32
    %broadcast_in_dim3A_20 = vector.broadcast %jit3A_19 : i32 to vector<1024x128xi32>
    %select_n3A_21 = arith.select %lt3A, %broadcast_in_dim3A_20, %broadcast_in_dim3A_17 : vector<1024x128xi1>, vector<1024x128xi32>
    %slice3A_22 = vector.extract_strided_slice %sqrt3A {offsets = [0, 256], sizes = [1024, 128], strides = [1, 1]} : vector<1024x2048xf32> to vector<1024x128xf32>
    %lt3A_23 = arith.cmpf olt, %slice3A_22, %select_n3A : vector<1024x128xf32>
    %select_n3A_24 = arith.select %lt3A_23, %slice3A_22, %select_n3A : vector<1024x128xi1>, vector<1024x128xf32>
    %jit3A_25 = arith.constant 2 : i32
    %broadcast_in_dim3A_26 = vector.broadcast %jit3A_25 : i32 to vector<1024x128xi32>
    %select_n3A_27 = arith.select %lt3A_23, %broadcast_in_dim3A_26, %select_n3A_21 : vector<1024x128xi1>, vector<1024x128xi32>
    %slice3A_28 = vector.extract_strided_slice %sqrt3A {offsets = [0, 384], sizes = [1024, 128], strides = [1, 1]} : vector<1024x2048xf32> to vector<1024x128xf32>
    %lt3A_29 = arith.cmpf olt, %slice3A_28, %select_n3A_24 : vector<1024x128xf32>
    %select_n3A_30 = arith.select %lt3A_29, %slice3A_28, %select_n3A_24 : vector<1024x128xi1>, vector<1024x128xf32>
    %jit3A_31 = arith.constant 3 : i32
    %broadcast_in_dim3A_32 = vector.broadcast %jit3A_31 : i32 to vector<1024x128xi32>
    %select_n3A_33 = arith.select %lt3A_29, %broadcast_in_dim3A_32, %select_n3A_27 : vector<1024x128xi1>, vector<1024x128xi32>
    %slice3A_34 = vector.extract_strided_slice %sqrt3A {offsets = [0, 512], sizes = [1024, 128], strides = [1, 1]} : vector<1024x2048xf32> to vector<1024x128xf32>
    %lt3A_35 = arith.cmpf olt, %slice3A_34, %select_n3A_30 : vector<1024x128xf32>
    %select_n3A_36 = arith.select %lt3A_35, %slice3A_34, %select_n3A_30 : vector<1024x128xi1>, vector<1024x128xf32>
    %jit3A_37 = arith.constant 4 : i32
    %broadcast_in_dim3A_38 = vector.broadcast %jit3A_37 : i32 to vector<1024x128xi32>
    %select_n3A_39 = arith.select %lt3A_35, %broadcast_in_dim3A_38, %select_n3A_33 : vector<1024x128xi1>, vector<1024x128xi32>
    %slice3A_40 = vector.extract_strided_slice %sqrt3A {offsets = [0, 640], sizes = [1024, 128], strides = [1, 1]} : vector<1024x2048xf32> to vector<1024x128xf32>
    %lt3A_41 = arith.cmpf olt, %slice3A_40, %select_n3A_36 : vector<1024x128xf32>
    %select_n3A_42 = arith.select %lt3A_41, %slice3A_40, %select_n3A_36 : vector<1024x128xi1>, vector<1024x128xf32>
    %jit3A_43 = arith.constant 5 : i32
    %broadcast_in_dim3A_44 = vector.broadcast %jit3A_43 : i32 to vector<1024x128xi32>
    %select_n3A_45 = arith.select %lt3A_41, %broadcast_in_dim3A_44, %select_n3A_39 : vector<1024x128xi1>, vector<1024x128xi32>
    %slice3A_46 = vector.extract_strided_slice %sqrt3A {offsets = [0, 768], sizes = [1024, 128], strides = [1, 1]} : vector<1024x2048xf32> to vector<1024x128xf32>
    %lt3A_47 = arith.cmpf olt, %slice3A_46, %select_n3A_42 : vector<1024x128xf32>
    %select_n3A_48 = arith.select %lt3A_47, %slice3A_46, %select_n3A_42 : vector<1024x128xi1>, vector<1024x128xf32>
    %jit3A_49 = arith.constant 6 : i32
    %broadcast_in_dim3A_50 = vector.broadcast %jit3A_49 : i32 to vector<1024x128xi32>
    %select_n3A_51 = arith.select %lt3A_47, %broadcast_in_dim3A_50, %select_n3A_45 : vector<1024x128xi1>, vector<1024x128xi32>
    %slice3A_52 = vector.extract_strided_slice %sqrt3A {offsets = [0, 896], sizes = [1024, 128], strides = [1, 1]} : vector<1024x2048xf32> to vector<1024x128xf32>
    %lt3A_53 = arith.cmpf olt, %slice3A_52, %select_n3A_48 : vector<1024x128xf32>
    %select_n3A_54 = arith.select %lt3A_53, %slice3A_52, %select_n3A_48 : vector<1024x128xi1>, vector<1024x128xf32>
    %jit3A_55 = arith.constant 7 : i32
    %broadcast_in_dim3A_56 = vector.broadcast %jit3A_55 : i32 to vector<1024x128xi32>
    %select_n3A_57 = arith.select %lt3A_53, %broadcast_in_dim3A_56, %select_n3A_51 : vector<1024x128xi1>, vector<1024x128xi32>
    %slice3A_58 = vector.extract_strided_slice %sqrt3A {offsets = [0, 1024], sizes = [1024, 128], strides = [1, 1]} : vector<1024x2048xf32> to vector<1024x128xf32>
    %lt3A_59 = arith.cmpf olt, %slice3A_58, %select_n3A_54 : vector<1024x128xf32>
    %select_n3A_60 = arith.select %lt3A_59, %slice3A_58, %select_n3A_54 : vector<1024x128xi1>, vector<1024x128xf32>
    %jit3A_61 = arith.constant 8 : i32
    %broadcast_in_dim3A_62 = vector.broadcast %jit3A_61 : i32 to vector<1024x128xi32>
    %select_n3A_63 = arith.select %lt3A_59, %broadcast_in_dim3A_62, %select_n3A_57 : vector<1024x128xi1>, vector<1024x128xi32>
    %slice3A_64 = vector.extract_strided_slice %sqrt3A {offsets = [0, 1152], sizes = [1024, 128], strides = [1, 1]} : vector<1024x2048xf32> to vector<1024x128xf32>
    %lt3A_65 = arith.cmpf olt, %slice3A_64, %select_n3A_60 : vector<1024x128xf32>
    %select_n3A_66 = arith.select %lt3A_65, %slice3A_64, %select_n3A_60 : vector<1024x128xi1>, vector<1024x128xf32>
    %jit3A_67 = arith.constant 9 : i32
    %broadcast_in_dim3A_68 = vector.broadcast %jit3A_67 : i32 to vector<1024x128xi32>
    %select_n3A_69 = arith.select %lt3A_65, %broadcast_in_dim3A_68, %select_n3A_63 : vector<1024x128xi1>, vector<1024x128xi32>
    %slice3A_70 = vector.extract_strided_slice %sqrt3A {offsets = [0, 1280], sizes = [1024, 128], strides = [1, 1]} : vector<1024x2048xf32> to vector<1024x128xf32>
    %lt3A_71 = arith.cmpf olt, %slice3A_70, %select_n3A_66 : vector<1024x128xf32>
    %select_n3A_72 = arith.select %lt3A_71, %slice3A_70, %select_n3A_66 : vector<1024x128xi1>, vector<1024x128xf32>
    %jit3A_73 = arith.constant 10 : i32
    %broadcast_in_dim3A_74 = vector.broadcast %jit3A_73 : i32 to vector<1024x128xi32>
    %select_n3A_75 = arith.select %lt3A_71, %broadcast_in_dim3A_74, %select_n3A_69 : vector<1024x128xi1>, vector<1024x128xi32>
    %slice3A_76 = vector.extract_strided_slice %sqrt3A {offsets = [0, 1408], sizes = [1024, 128], strides = [1, 1]} : vector<1024x2048xf32> to vector<1024x128xf32>
    %lt3A_77 = arith.cmpf olt, %slice3A_76, %select_n3A_72 : vector<1024x128xf32>
    %select_n3A_78 = arith.select %lt3A_77, %slice3A_76, %select_n3A_72 : vector<1024x128xi1>, vector<1024x128xf32>
    %jit3A_79 = arith.constant 11 : i32
    %broadcast_in_dim3A_80 = vector.broadcast %jit3A_79 : i32 to vector<1024x128xi32>
    %select_n3A_81 = arith.select %lt3A_77, %broadcast_in_dim3A_80, %select_n3A_75 : vector<1024x128xi1>, vector<1024x128xi32>
    %slice3A_82 = vector.extract_strided_slice %sqrt3A {offsets = [0, 1536], sizes = [1024, 128], strides = [1, 1]} : vector<1024x2048xf32> to vector<1024x128xf32>
    %lt3A_83 = arith.cmpf olt, %slice3A_82, %select_n3A_78 : vector<1024x128xf32>
    %select_n3A_84 = arith.select %lt3A_83, %slice3A_82, %select_n3A_78 : vector<1024x128xi1>, vector<1024x128xf32>
    %jit3A_85 = arith.constant 12 : i32
    %broadcast_in_dim3A_86 = vector.broadcast %jit3A_85 : i32 to vector<1024x128xi32>
    %select_n3A_87 = arith.select %lt3A_83, %broadcast_in_dim3A_86, %select_n3A_81 : vector<1024x128xi1>, vector<1024x128xi32>
    %slice3A_88 = vector.extract_strided_slice %sqrt3A {offsets = [0, 1664], sizes = [1024, 128], strides = [1, 1]} : vector<1024x2048xf32> to vector<1024x128xf32>
    %lt3A_89 = arith.cmpf olt, %slice3A_88, %select_n3A_84 : vector<1024x128xf32>
    %select_n3A_90 = arith.select %lt3A_89, %slice3A_88, %select_n3A_84 : vector<1024x128xi1>, vector<1024x128xf32>
    %jit3A_91 = arith.constant 13 : i32
    %broadcast_in_dim3A_92 = vector.broadcast %jit3A_91 : i32 to vector<1024x128xi32>
    %select_n3A_93 = arith.select %lt3A_89, %broadcast_in_dim3A_92, %select_n3A_87 : vector<1024x128xi1>, vector<1024x128xi32>
    %slice3A_94 = vector.extract_strided_slice %sqrt3A {offsets = [0, 1792], sizes = [1024, 128], strides = [1, 1]} : vector<1024x2048xf32> to vector<1024x128xf32>
    %lt3A_95 = arith.cmpf olt, %slice3A_94, %select_n3A_90 : vector<1024x128xf32>
    %select_n3A_96 = arith.select %lt3A_95, %slice3A_94, %select_n3A_90 : vector<1024x128xi1>, vector<1024x128xf32>
    %jit3A_97 = arith.constant 14 : i32
    %broadcast_in_dim3A_98 = vector.broadcast %jit3A_97 : i32 to vector<1024x128xi32>
    %select_n3A_99 = arith.select %lt3A_95, %broadcast_in_dim3A_98, %select_n3A_93 : vector<1024x128xi1>, vector<1024x128xi32>
    %slice3A_100 = vector.extract_strided_slice %sqrt3A {offsets = [0, 1920], sizes = [1024, 128], strides = [1, 1]} : vector<1024x2048xf32> to vector<1024x128xf32>
    %lt3A_101 = arith.cmpf olt, %slice3A_100, %select_n3A_96 : vector<1024x128xf32>
    %select_n3A_102 = arith.select %lt3A_101, %slice3A_100, %select_n3A_96 : vector<1024x128xi1>, vector<1024x128xf32>
    %jit3A_103 = arith.constant 15 : i32
    %broadcast_in_dim3A_104 = vector.broadcast %jit3A_103 : i32 to vector<1024x128xi32>
    %select_n3A_105 = arith.select %lt3A_101, %broadcast_in_dim3A_104, %select_n3A_99 : vector<1024x128xi1>, vector<1024x128xi32>
    %reduce_min3A = arith.constant dense<0x7F800000> : vector<1024xf32>
    %reduce_min3A_106 = vector.multi_reduction <minimumf>, %select_n3A_102, %reduce_min3A [1] : vector<1024x128xf32> to vector<1024xf32>
    %broadcast_in_dim3A_107 = vector.shape_cast %reduce_min3A_106 : vector<1024xf32> to vector<1024x1xf32>
    %iota3A = tpu.iota {dimensions = array<i32: 1>} : vector<1024x128xi32>
    %mul3A_108 = arith.constant 128 : i32
    %mul3A_109 = vector.broadcast %mul3A_108 : i32 to vector<1024x128xi32>
    %mul3A_110 = arith.muli %select_n3A_105, %mul3A_109 : vector<1024x128xi32>
    %add3A_111 = arith.addi %mul3A_110, %iota3A : vector<1024x128xi32>
    %add3A_112 = arith.constant 0 : i32
    %add3A_113 = vector.broadcast %add3A_112 : i32 to vector<1024x128xi32>
    %add3A_114 = arith.addi %add3A_111, %add3A_113 : vector<1024x128xi32>
    %eq3A = vector.broadcast %broadcast_in_dim3A_107 : vector<1024x1xf32> to vector<1024x128xf32>
    %eq3A_115 = arith.cmpf oeq, %select_n3A_102, %eq3A : vector<1024x128xf32>
    %jit3A_116 = arith.constant 8192 : i32
    %broadcast_in_dim3A_117 = vector.broadcast %jit3A_116 : i32 to vector<1024x128xi32>
    %select_n3A_118 = arith.select %eq3A_115, %add3A_114, %broadcast_in_dim3A_117 : vector<1024x128xi1>, vector<1024x128xi32>
    %reduce_min3A_119 = arith.constant dense<2147483647> : vector<1024xi32>
    %reduce_min3A_120 = vector.multi_reduction <minsi>, %select_n3A_118, %reduce_min3A_119 [1] : vector<1024x128xi32> to vector<1024xi32>
    %broadcast_in_dim3A_121 = vector.shape_cast %reduce_min3A_120 : vector<1024xi32> to vector<1024x1xi32>
    %convert_element_type3A = arith.truncf %broadcast_in_dim3A_107 : vector<1024x1xf32> to vector<1024x1xbf16>
    %convert_element_type3A_122 = arith.extf %convert_element_type3A : vector<1024x1xbf16> to vector<1024x1xf32>
    %get3A_123 = arith.constant 0 : index
    %get3A_124 = arith.constant 2048 : index
    %get3A_125 = vector.load %arg2[%get3A_123, %get3A_124] : memref<32x8192xbf16, #tpu.memory_space<vmem>>, vector<32x2048xbf16>
    %dot_general3A_126 = arith.constant dense<0.000000e+00> : vector<1024x2048xf32>
    %dot_general3A_127 = tpu.matmul %get3A_1, %get3A_125, %dot_general3A_126 {dimension_numbers = #tpu.dot_dimension_numbers<[1], [0], [0], [1], [0, 0, 1, 1], [], []>, transpose_lhs_hint = false} : vector<1024x32xbf16>, vector<32x2048xbf16>, vector<1024x2048xf32> -> vector<1024x2048xf32>
    %get3A_128 = arith.constant 0 : index
    %get3A_129 = arith.constant 2048 : index
    %get3A_130 = vector.load %arg4[%get3A_128, %get3A_129] : memref<1x8192xf32, #tpu.memory_space<vmem>>, vector<1x2048xf32>
    %add3A_131 = vector.broadcast %get3A_4 : vector<1024x1xf32> to vector<1024x2048xf32>
    %add3A_132 = vector.broadcast %get3A_130 : vector<1x2048xf32> to vector<1024x2048xf32>
    %add3A_133 = arith.addf %add3A_131, %add3A_132 : vector<1024x2048xf32>
    %mul3A_134 = arith.constant 2.000000e+00 : f32
    %mul3A_135 = vector.broadcast %mul3A_134 : f32 to vector<1024x2048xf32>
    %mul3A_136 = arith.mulf %mul3A_135, %dot_general3A_127 : vector<1024x2048xf32>
    %sub3A_137 = arith.subf %add3A_133, %mul3A_136 : vector<1024x2048xf32>
    %jit3A_138 = arith.constant 0.000000e+00 : f32
    %max3A_139 = vector.broadcast %jit3A_138 : f32 to vector<1024x2048xf32>
    %max3A_140 = arith.maximumf %max3A_139, %sub3A_137 : vector<1024x2048xf32>
    %sqrt3A_141 = math.sqrt %max3A_140 : vector<1024x2048xf32>
    %slice3A_142 = vector.extract_strided_slice %sqrt3A_141 {offsets = [0, 0], sizes = [1024, 128], strides = [1, 1]} : vector<1024x2048xf32> to vector<1024x128xf32>
    %broadcast_in_dim3A_143 = arith.constant 0 : i32
    %broadcast_in_dim3A_144 = vector.broadcast %broadcast_in_dim3A_143 : i32 to vector<1024x128xi32>
    %slice3A_145 = vector.extract_strided_slice %sqrt3A_141 {offsets = [0, 128], sizes = [1024, 128], strides = [1, 1]} : vector<1024x2048xf32> to vector<1024x128xf32>
    %lt3A_146 = arith.cmpf olt, %slice3A_145, %slice3A_142 : vector<1024x128xf32>
    %select_n3A_147 = arith.select %lt3A_146, %slice3A_145, %slice3A_142 : vector<1024x128xi1>, vector<1024x128xf32>
    %jit3A_148 = arith.constant 1 : i32
    %broadcast_in_dim3A_149 = vector.broadcast %jit3A_148 : i32 to vector<1024x128xi32>
    %select_n3A_150 = arith.select %lt3A_146, %broadcast_in_dim3A_149, %broadcast_in_dim3A_144 : vector<1024x128xi1>, vector<1024x128xi32>
    %slice3A_151 = vector.extract_strided_slice %sqrt3A_141 {offsets = [0, 256], sizes = [1024, 128], strides = [1, 1]} : vector<1024x2048xf32> to vector<1024x128xf32>
    %lt3A_152 = arith.cmpf olt, %slice3A_151, %select_n3A_147 : vector<1024x128xf32>
    %select_n3A_153 = arith.select %lt3A_152, %slice3A_151, %select_n3A_147 : vector<1024x128xi1>, vector<1024x128xf32>
    %jit3A_154 = arith.constant 2 : i32
    %broadcast_in_dim3A_155 = vector.broadcast %jit3A_154 : i32 to vector<1024x128xi32>
    %select_n3A_156 = arith.select %lt3A_152, %broadcast_in_dim3A_155, %select_n3A_150 : vector<1024x128xi1>, vector<1024x128xi32>
    %slice3A_157 = vector.extract_strided_slice %sqrt3A_141 {offsets = [0, 384], sizes = [1024, 128], strides = [1, 1]} : vector<1024x2048xf32> to vector<1024x128xf32>
    %lt3A_158 = arith.cmpf olt, %slice3A_157, %select_n3A_153 : vector<1024x128xf32>
    %select_n3A_159 = arith.select %lt3A_158, %slice3A_157, %select_n3A_153 : vector<1024x128xi1>, vector<1024x128xf32>
    %jit3A_160 = arith.constant 3 : i32
    %broadcast_in_dim3A_161 = vector.broadcast %jit3A_160 : i32 to vector<1024x128xi32>
    %select_n3A_162 = arith.select %lt3A_158, %broadcast_in_dim3A_161, %select_n3A_156 : vector<1024x128xi1>, vector<1024x128xi32>
    %slice3A_163 = vector.extract_strided_slice %sqrt3A_141 {offsets = [0, 512], sizes = [1024, 128], strides = [1, 1]} : vector<1024x2048xf32> to vector<1024x128xf32>
    %lt3A_164 = arith.cmpf olt, %slice3A_163, %select_n3A_159 : vector<1024x128xf32>
    %select_n3A_165 = arith.select %lt3A_164, %slice3A_163, %select_n3A_159 : vector<1024x128xi1>, vector<1024x128xf32>
    %jit3A_166 = arith.constant 4 : i32
    %broadcast_in_dim3A_167 = vector.broadcast %jit3A_166 : i32 to vector<1024x128xi32>
    %select_n3A_168 = arith.select %lt3A_164, %broadcast_in_dim3A_167, %select_n3A_162 : vector<1024x128xi1>, vector<1024x128xi32>
    %slice3A_169 = vector.extract_strided_slice %sqrt3A_141 {offsets = [0, 640], sizes = [1024, 128], strides = [1, 1]} : vector<1024x2048xf32> to vector<1024x128xf32>
    %lt3A_170 = arith.cmpf olt, %slice3A_169, %select_n3A_165 : vector<1024x128xf32>
    %select_n3A_171 = arith.select %lt3A_170, %slice3A_169, %select_n3A_165 : vector<1024x128xi1>, vector<1024x128xf32>
    %jit3A_172 = arith.constant 5 : i32
    %broadcast_in_dim3A_173 = vector.broadcast %jit3A_172 : i32 to vector<1024x128xi32>
    %select_n3A_174 = arith.select %lt3A_170, %broadcast_in_dim3A_173, %select_n3A_168 : vector<1024x128xi1>, vector<1024x128xi32>
    %slice3A_175 = vector.extract_strided_slice %sqrt3A_141 {offsets = [0, 768], sizes = [1024, 128], strides = [1, 1]} : vector<1024x2048xf32> to vector<1024x128xf32>
    %lt3A_176 = arith.cmpf olt, %slice3A_175, %select_n3A_171 : vector<1024x128xf32>
    %select_n3A_177 = arith.select %lt3A_176, %slice3A_175, %select_n3A_171 : vector<1024x128xi1>, vector<1024x128xf32>
    %jit3A_178 = arith.constant 6 : i32
    %broadcast_in_dim3A_179 = vector.broadcast %jit3A_178 : i32 to vector<1024x128xi32>
    %select_n3A_180 = arith.select %lt3A_176, %broadcast_in_dim3A_179, %select_n3A_174 : vector<1024x128xi1>, vector<1024x128xi32>
    %slice3A_181 = vector.extract_strided_slice %sqrt3A_141 {offsets = [0, 896], sizes = [1024, 128], strides = [1, 1]} : vector<1024x2048xf32> to vector<1024x128xf32>
    %lt3A_182 = arith.cmpf olt, %slice3A_181, %select_n3A_177 : vector<1024x128xf32>
    %select_n3A_183 = arith.select %lt3A_182, %slice3A_181, %select_n3A_177 : vector<1024x128xi1>, vector<1024x128xf32>
    %jit3A_184 = arith.constant 7 : i32
    %broadcast_in_dim3A_185 = vector.broadcast %jit3A_184 : i32 to vector<1024x128xi32>
    %select_n3A_186 = arith.select %lt3A_182, %broadcast_in_dim3A_185, %select_n3A_180 : vector<1024x128xi1>, vector<1024x128xi32>
    %slice3A_187 = vector.extract_strided_slice %sqrt3A_141 {offsets = [0, 1024], sizes = [1024, 128], strides = [1, 1]} : vector<1024x2048xf32> to vector<1024x128xf32>
    %lt3A_188 = arith.cmpf olt, %slice3A_187, %select_n3A_183 : vector<1024x128xf32>
    %select_n3A_189 = arith.select %lt3A_188, %slice3A_187, %select_n3A_183 : vector<1024x128xi1>, vector<1024x128xf32>
    %jit3A_190 = arith.constant 8 : i32
    %broadcast_in_dim3A_191 = vector.broadcast %jit3A_190 : i32 to vector<1024x128xi32>
    %select_n3A_192 = arith.select %lt3A_188, %broadcast_in_dim3A_191, %select_n3A_186 : vector<1024x128xi1>, vector<1024x128xi32>
    %slice3A_193 = vector.extract_strided_slice %sqrt3A_141 {offsets = [0, 1152], sizes = [1024, 128], strides = [1, 1]} : vector<1024x2048xf32> to vector<1024x128xf32>
    %lt3A_194 = arith.cmpf olt, %slice3A_193, %select_n3A_189 : vector<1024x128xf32>
    %select_n3A_195 = arith.select %lt3A_194, %slice3A_193, %select_n3A_189 : vector<1024x128xi1>, vector<1024x128xf32>
    %jit3A_196 = arith.constant 9 : i32
    %broadcast_in_dim3A_197 = vector.broadcast %jit3A_196 : i32 to vector<1024x128xi32>
    %select_n3A_198 = arith.select %lt3A_194, %broadcast_in_dim3A_197, %select_n3A_192 : vector<1024x128xi1>, vector<1024x128xi32>
    %slice3A_199 = vector.extract_strided_slice %sqrt3A_141 {offsets = [0, 1280], sizes = [1024, 128], strides = [1, 1]} : vector<1024x2048xf32> to vector<1024x128xf32>
    %lt3A_200 = arith.cmpf olt, %slice3A_199, %select_n3A_195 : vector<1024x128xf32>
    %select_n3A_201 = arith.select %lt3A_200, %slice3A_199, %select_n3A_195 : vector<1024x128xi1>, vector<1024x128xf32>
    %jit3A_202 = arith.constant 10 : i32
    %broadcast_in_dim3A_203 = vector.broadcast %jit3A_202 : i32 to vector<1024x128xi32>
    %select_n3A_204 = arith.select %lt3A_200, %broadcast_in_dim3A_203, %select_n3A_198 : vector<1024x128xi1>, vector<1024x128xi32>
    %slice3A_205 = vector.extract_strided_slice %sqrt3A_141 {offsets = [0, 1408], sizes = [1024, 128], strides = [1, 1]} : vector<1024x2048xf32> to vector<1024x128xf32>
    %lt3A_206 = arith.cmpf olt, %slice3A_205, %select_n3A_201 : vector<1024x128xf32>
    %select_n3A_207 = arith.select %lt3A_206, %slice3A_205, %select_n3A_201 : vector<1024x128xi1>, vector<1024x128xf32>
    %jit3A_208 = arith.constant 11 : i32
    %broadcast_in_dim3A_209 = vector.broadcast %jit3A_208 : i32 to vector<1024x128xi32>
    %select_n3A_210 = arith.select %lt3A_206, %broadcast_in_dim3A_209, %select_n3A_204 : vector<1024x128xi1>, vector<1024x128xi32>
    %slice3A_211 = vector.extract_strided_slice %sqrt3A_141 {offsets = [0, 1536], sizes = [1024, 128], strides = [1, 1]} : vector<1024x2048xf32> to vector<1024x128xf32>
    %lt3A_212 = arith.cmpf olt, %slice3A_211, %select_n3A_207 : vector<1024x128xf32>
    %select_n3A_213 = arith.select %lt3A_212, %slice3A_211, %select_n3A_207 : vector<1024x128xi1>, vector<1024x128xf32>
    %jit3A_214 = arith.constant 12 : i32
    %broadcast_in_dim3A_215 = vector.broadcast %jit3A_214 : i32 to vector<1024x128xi32>
    %select_n3A_216 = arith.select %lt3A_212, %broadcast_in_dim3A_215, %select_n3A_210 : vector<1024x128xi1>, vector<1024x128xi32>
    %slice3A_217 = vector.extract_strided_slice %sqrt3A_141 {offsets = [0, 1664], sizes = [1024, 128], strides = [1, 1]} : vector<1024x2048xf32> to vector<1024x128xf32>
    %lt3A_218 = arith.cmpf olt, %slice3A_217, %select_n3A_213 : vector<1024x128xf32>
    %select_n3A_219 = arith.select %lt3A_218, %slice3A_217, %select_n3A_213 : vector<1024x128xi1>, vector<1024x128xf32>
    %jit3A_220 = arith.constant 13 : i32
    %broadcast_in_dim3A_221 = vector.broadcast %jit3A_220 : i32 to vector<1024x128xi32>
    %select_n3A_222 = arith.select %lt3A_218, %broadcast_in_dim3A_221, %select_n3A_216 : vector<1024x128xi1>, vector<1024x128xi32>
    %slice3A_223 = vector.extract_strided_slice %sqrt3A_141 {offsets = [0, 1792], sizes = [1024, 128], strides = [1, 1]} : vector<1024x2048xf32> to vector<1024x128xf32>
    %lt3A_224 = arith.cmpf olt, %slice3A_223, %select_n3A_219 : vector<1024x128xf32>
    %select_n3A_225 = arith.select %lt3A_224, %slice3A_223, %select_n3A_219 : vector<1024x128xi1>, vector<1024x128xf32>
    %jit3A_226 = arith.constant 14 : i32
    %broadcast_in_dim3A_227 = vector.broadcast %jit3A_226 : i32 to vector<1024x128xi32>
    %select_n3A_228 = arith.select %lt3A_224, %broadcast_in_dim3A_227, %select_n3A_222 : vector<1024x128xi1>, vector<1024x128xi32>
    %slice3A_229 = vector.extract_strided_slice %sqrt3A_141 {offsets = [0, 1920], sizes = [1024, 128], strides = [1, 1]} : vector<1024x2048xf32> to vector<1024x128xf32>
    %lt3A_230 = arith.cmpf olt, %slice3A_229, %select_n3A_225 : vector<1024x128xf32>
    %select_n3A_231 = arith.select %lt3A_230, %slice3A_229, %select_n3A_225 : vector<1024x128xi1>, vector<1024x128xf32>
    %jit3A_232 = arith.constant 15 : i32
    %broadcast_in_dim3A_233 = vector.broadcast %jit3A_232 : i32 to vector<1024x128xi32>
    %select_n3A_234 = arith.select %lt3A_230, %broadcast_in_dim3A_233, %select_n3A_228 : vector<1024x128xi1>, vector<1024x128xi32>
    %reduce_min3A_235 = arith.constant dense<0x7F800000> : vector<1024xf32>
    %reduce_min3A_236 = vector.multi_reduction <minimumf>, %select_n3A_231, %reduce_min3A_235 [1] : vector<1024x128xf32> to vector<1024xf32>
    %broadcast_in_dim3A_237 = vector.shape_cast %reduce_min3A_236 : vector<1024xf32> to vector<1024x1xf32>
    %iota3A_238 = tpu.iota {dimensions = array<i32: 1>} : vector<1024x128xi32>
    %mul3A_239 = arith.constant 128 : i32
    %mul3A_240 = vector.broadcast %mul3A_239 : i32 to vector<1024x128xi32>
    %mul3A_241 = arith.muli %select_n3A_234, %mul3A_240 : vector<1024x128xi32>
    %add3A_242 = arith.addi %mul3A_241, %iota3A_238 : vector<1024x128xi32>
    %add3A_243 = arith.constant 2048 : i32
    %add3A_244 = vector.broadcast %add3A_243 : i32 to vector<1024x128xi32>
    %add3A_245 = arith.addi %add3A_242, %add3A_244 : vector<1024x128xi32>
    %eq3A_246 = vector.broadcast %broadcast_in_dim3A_237 : vector<1024x1xf32> to vector<1024x128xf32>
    %eq3A_247 = arith.cmpf oeq, %select_n3A_231, %eq3A_246 : vector<1024x128xf32>
    %jit3A_248 = arith.constant 8192 : i32
    %broadcast_in_dim3A_249 = vector.broadcast %jit3A_248 : i32 to vector<1024x128xi32>
    %select_n3A_250 = arith.select %eq3A_247, %add3A_245, %broadcast_in_dim3A_249 : vector<1024x128xi1>, vector<1024x128xi32>
    %reduce_min3A_251 = arith.constant dense<2147483647> : vector<1024xi32>
    %reduce_min3A_252 = vector.multi_reduction <minsi>, %select_n3A_250, %reduce_min3A_251 [1] : vector<1024x128xi32> to vector<1024xi32>
    %broadcast_in_dim3A_253 = vector.shape_cast %reduce_min3A_252 : vector<1024xi32> to vector<1024x1xi32>
    %convert_element_type3A_254 = arith.truncf %broadcast_in_dim3A_237 : vector<1024x1xf32> to vector<1024x1xbf16>
    %convert_element_type3A_255 = arith.extf %convert_element_type3A_254 : vector<1024x1xbf16> to vector<1024x1xf32>
    %lt3A_256 = arith.cmpf olt, %broadcast_in_dim3A_237, %convert_element_type3A_122 : vector<1024x1xf32>
    %select_n3A_257 = arith.select %lt3A_256, %convert_element_type3A_255, %convert_element_type3A_122 : vector<1024x1xi1>, vector<1024x1xf32>
    %select_n3A_258 = arith.select %lt3A_256, %broadcast_in_dim3A_253, %broadcast_in_dim3A_121 : vector<1024x1xi1>, vector<1024x1xi32>
    %get3A_259 = arith.constant 0 : index
    %get3A_260 = arith.constant 4096 : index
    %get3A_261 = vector.load %arg2[%get3A_259, %get3A_260] : memref<32x8192xbf16, #tpu.memory_space<vmem>>, vector<32x2048xbf16>
    %dot_general3A_262 = arith.constant dense<0.000000e+00> : vector<1024x2048xf32>
    %dot_general3A_263 = tpu.matmul %get3A_1, %get3A_261, %dot_general3A_262 {dimension_numbers = #tpu.dot_dimension_numbers<[1], [0], [0], [1], [0, 0, 1, 1], [], []>, transpose_lhs_hint = false} : vector<1024x32xbf16>, vector<32x2048xbf16>, vector<1024x2048xf32> -> vector<1024x2048xf32>
    %get3A_264 = arith.constant 0 : index
    %get3A_265 = arith.constant 4096 : index
    %get3A_266 = vector.load %arg4[%get3A_264, %get3A_265] : memref<1x8192xf32, #tpu.memory_space<vmem>>, vector<1x2048xf32>
    %add3A_267 = vector.broadcast %get3A_4 : vector<1024x1xf32> to vector<1024x2048xf32>
    %add3A_268 = vector.broadcast %get3A_266 : vector<1x2048xf32> to vector<1024x2048xf32>
    %add3A_269 = arith.addf %add3A_267, %add3A_268 : vector<1024x2048xf32>
    %mul3A_270 = arith.constant 2.000000e+00 : f32
    %mul3A_271 = vector.broadcast %mul3A_270 : f32 to vector<1024x2048xf32>
    %mul3A_272 = arith.mulf %mul3A_271, %dot_general3A_263 : vector<1024x2048xf32>
    %sub3A_273 = arith.subf %add3A_269, %mul3A_272 : vector<1024x2048xf32>
    %jit3A_274 = arith.constant 0.000000e+00 : f32
    %max3A_275 = vector.broadcast %jit3A_274 : f32 to vector<1024x2048xf32>
    %max3A_276 = arith.maximumf %max3A_275, %sub3A_273 : vector<1024x2048xf32>
    %sqrt3A_277 = math.sqrt %max3A_276 : vector<1024x2048xf32>
    %slice3A_278 = vector.extract_strided_slice %sqrt3A_277 {offsets = [0, 0], sizes = [1024, 128], strides = [1, 1]} : vector<1024x2048xf32> to vector<1024x128xf32>
    %broadcast_in_dim3A_279 = arith.constant 0 : i32
    %broadcast_in_dim3A_280 = vector.broadcast %broadcast_in_dim3A_279 : i32 to vector<1024x128xi32>
    %slice3A_281 = vector.extract_strided_slice %sqrt3A_277 {offsets = [0, 128], sizes = [1024, 128], strides = [1, 1]} : vector<1024x2048xf32> to vector<1024x128xf32>
    %lt3A_282 = arith.cmpf olt, %slice3A_281, %slice3A_278 : vector<1024x128xf32>
    %select_n3A_283 = arith.select %lt3A_282, %slice3A_281, %slice3A_278 : vector<1024x128xi1>, vector<1024x128xf32>
    %jit3A_284 = arith.constant 1 : i32
    %broadcast_in_dim3A_285 = vector.broadcast %jit3A_284 : i32 to vector<1024x128xi32>
    %select_n3A_286 = arith.select %lt3A_282, %broadcast_in_dim3A_285, %broadcast_in_dim3A_280 : vector<1024x128xi1>, vector<1024x128xi32>
    %slice3A_287 = vector.extract_strided_slice %sqrt3A_277 {offsets = [0, 256], sizes = [1024, 128], strides = [1, 1]} : vector<1024x2048xf32> to vector<1024x128xf32>
    %lt3A_288 = arith.cmpf olt, %slice3A_287, %select_n3A_283 : vector<1024x128xf32>
    %select_n3A_289 = arith.select %lt3A_288, %slice3A_287, %select_n3A_283 : vector<1024x128xi1>, vector<1024x128xf32>
    %jit3A_290 = arith.constant 2 : i32
    %broadcast_in_dim3A_291 = vector.broadcast %jit3A_290 : i32 to vector<1024x128xi32>
    %select_n3A_292 = arith.select %lt3A_288, %broadcast_in_dim3A_291, %select_n3A_286 : vector<1024x128xi1>, vector<1024x128xi32>
    %slice3A_293 = vector.extract_strided_slice %sqrt3A_277 {offsets = [0, 384], sizes = [1024, 128], strides = [1, 1]} : vector<1024x2048xf32> to vector<1024x128xf32>
    %lt3A_294 = arith.cmpf olt, %slice3A_293, %select_n3A_289 : vector<1024x128xf32>
    %select_n3A_295 = arith.select %lt3A_294, %slice3A_293, %select_n3A_289 : vector<1024x128xi1>, vector<1024x128xf32>
    %jit3A_296 = arith.constant 3 : i32
    %broadcast_in_dim3A_297 = vector.broadcast %jit3A_296 : i32 to vector<1024x128xi32>
    %select_n3A_298 = arith.select %lt3A_294, %broadcast_in_dim3A_297, %select_n3A_292 : vector<1024x128xi1>, vector<1024x128xi32>
    %slice3A_299 = vector.extract_strided_slice %sqrt3A_277 {offsets = [0, 512], sizes = [1024, 128], strides = [1, 1]} : vector<1024x2048xf32> to vector<1024x128xf32>
    %lt3A_300 = arith.cmpf olt, %slice3A_299, %select_n3A_295 : vector<1024x128xf32>
    %select_n3A_301 = arith.select %lt3A_300, %slice3A_299, %select_n3A_295 : vector<1024x128xi1>, vector<1024x128xf32>
    %jit3A_302 = arith.constant 4 : i32
    %broadcast_in_dim3A_303 = vector.broadcast %jit3A_302 : i32 to vector<1024x128xi32>
    %select_n3A_304 = arith.select %lt3A_300, %broadcast_in_dim3A_303, %select_n3A_298 : vector<1024x128xi1>, vector<1024x128xi32>
    %slice3A_305 = vector.extract_strided_slice %sqrt3A_277 {offsets = [0, 640], sizes = [1024, 128], strides = [1, 1]} : vector<1024x2048xf32> to vector<1024x128xf32>
    %lt3A_306 = arith.cmpf olt, %slice3A_305, %select_n3A_301 : vector<1024x128xf32>
    %select_n3A_307 = arith.select %lt3A_306, %slice3A_305, %select_n3A_301 : vector<1024x128xi1>, vector<1024x128xf32>
    %jit3A_308 = arith.constant 5 : i32
    %broadcast_in_dim3A_309 = vector.broadcast %jit3A_308 : i32 to vector<1024x128xi32>
    %select_n3A_310 = arith.select %lt3A_306, %broadcast_in_dim3A_309, %select_n3A_304 : vector<1024x128xi1>, vector<1024x128xi32>
    %slice3A_311 = vector.extract_strided_slice %sqrt3A_277 {offsets = [0, 768], sizes = [1024, 128], strides = [1, 1]} : vector<1024x2048xf32> to vector<1024x128xf32>
    %lt3A_312 = arith.cmpf olt, %slice3A_311, %select_n3A_307 : vector<1024x128xf32>
    %select_n3A_313 = arith.select %lt3A_312, %slice3A_311, %select_n3A_307 : vector<1024x128xi1>, vector<1024x128xf32>
    %jit3A_314 = arith.constant 6 : i32
    %broadcast_in_dim3A_315 = vector.broadcast %jit3A_314 : i32 to vector<1024x128xi32>
    %select_n3A_316 = arith.select %lt3A_312, %broadcast_in_dim3A_315, %select_n3A_310 : vector<1024x128xi1>, vector<1024x128xi32>
    %slice3A_317 = vector.extract_strided_slice %sqrt3A_277 {offsets = [0, 896], sizes = [1024, 128], strides = [1, 1]} : vector<1024x2048xf32> to vector<1024x128xf32>
    %lt3A_318 = arith.cmpf olt, %slice3A_317, %select_n3A_313 : vector<1024x128xf32>
    %select_n3A_319 = arith.select %lt3A_318, %slice3A_317, %select_n3A_313 : vector<1024x128xi1>, vector<1024x128xf32>
    %jit3A_320 = arith.constant 7 : i32
    %broadcast_in_dim3A_321 = vector.broadcast %jit3A_320 : i32 to vector<1024x128xi32>
    %select_n3A_322 = arith.select %lt3A_318, %broadcast_in_dim3A_321, %select_n3A_316 : vector<1024x128xi1>, vector<1024x128xi32>
    %slice3A_323 = vector.extract_strided_slice %sqrt3A_277 {offsets = [0, 1024], sizes = [1024, 128], strides = [1, 1]} : vector<1024x2048xf32> to vector<1024x128xf32>
    %lt3A_324 = arith.cmpf olt, %slice3A_323, %select_n3A_319 : vector<1024x128xf32>
    %select_n3A_325 = arith.select %lt3A_324, %slice3A_323, %select_n3A_319 : vector<1024x128xi1>, vector<1024x128xf32>
    %jit3A_326 = arith.constant 8 : i32
    %broadcast_in_dim3A_327 = vector.broadcast %jit3A_326 : i32 to vector<1024x128xi32>
    %select_n3A_328 = arith.select %lt3A_324, %broadcast_in_dim3A_327, %select_n3A_322 : vector<1024x128xi1>, vector<1024x128xi32>
    %slice3A_329 = vector.extract_strided_slice %sqrt3A_277 {offsets = [0, 1152], sizes = [1024, 128], strides = [1, 1]} : vector<1024x2048xf32> to vector<1024x128xf32>
    %lt3A_330 = arith.cmpf olt, %slice3A_329, %select_n3A_325 : vector<1024x128xf32>
    %select_n3A_331 = arith.select %lt3A_330, %slice3A_329, %select_n3A_325 : vector<1024x128xi1>, vector<1024x128xf32>
    %jit3A_332 = arith.constant 9 : i32
    %broadcast_in_dim3A_333 = vector.broadcast %jit3A_332 : i32 to vector<1024x128xi32>
    %select_n3A_334 = arith.select %lt3A_330, %broadcast_in_dim3A_333, %select_n3A_328 : vector<1024x128xi1>, vector<1024x128xi32>
    %slice3A_335 = vector.extract_strided_slice %sqrt3A_277 {offsets = [0, 1280], sizes = [1024, 128], strides = [1, 1]} : vector<1024x2048xf32> to vector<1024x128xf32>
    %lt3A_336 = arith.cmpf olt, %slice3A_335, %select_n3A_331 : vector<1024x128xf32>
    %select_n3A_337 = arith.select %lt3A_336, %slice3A_335, %select_n3A_331 : vector<1024x128xi1>, vector<1024x128xf32>
    %jit3A_338 = arith.constant 10 : i32
    %broadcast_in_dim3A_339 = vector.broadcast %jit3A_338 : i32 to vector<1024x128xi32>
    %select_n3A_340 = arith.select %lt3A_336, %broadcast_in_dim3A_339, %select_n3A_334 : vector<1024x128xi1>, vector<1024x128xi32>
    %slice3A_341 = vector.extract_strided_slice %sqrt3A_277 {offsets = [0, 1408], sizes = [1024, 128], strides = [1, 1]} : vector<1024x2048xf32> to vector<1024x128xf32>
    %lt3A_342 = arith.cmpf olt, %slice3A_341, %select_n3A_337 : vector<1024x128xf32>
    %select_n3A_343 = arith.select %lt3A_342, %slice3A_341, %select_n3A_337 : vector<1024x128xi1>, vector<1024x128xf32>
    %jit3A_344 = arith.constant 11 : i32
    %broadcast_in_dim3A_345 = vector.broadcast %jit3A_344 : i32 to vector<1024x128xi32>
    %select_n3A_346 = arith.select %lt3A_342, %broadcast_in_dim3A_345, %select_n3A_340 : vector<1024x128xi1>, vector<1024x128xi32>
    %slice3A_347 = vector.extract_strided_slice %sqrt3A_277 {offsets = [0, 1536], sizes = [1024, 128], strides = [1, 1]} : vector<1024x2048xf32> to vector<1024x128xf32>
    %lt3A_348 = arith.cmpf olt, %slice3A_347, %select_n3A_343 : vector<1024x128xf32>
    %select_n3A_349 = arith.select %lt3A_348, %slice3A_347, %select_n3A_343 : vector<1024x128xi1>, vector<1024x128xf32>
    %jit3A_350 = arith.constant 12 : i32
    %broadcast_in_dim3A_351 = vector.broadcast %jit3A_350 : i32 to vector<1024x128xi32>
    %select_n3A_352 = arith.select %lt3A_348, %broadcast_in_dim3A_351, %select_n3A_346 : vector<1024x128xi1>, vector<1024x128xi32>
    %slice3A_353 = vector.extract_strided_slice %sqrt3A_277 {offsets = [0, 1664], sizes = [1024, 128], strides = [1, 1]} : vector<1024x2048xf32> to vector<1024x128xf32>
    %lt3A_354 = arith.cmpf olt, %slice3A_353, %select_n3A_349 : vector<1024x128xf32>
    %select_n3A_355 = arith.select %lt3A_354, %slice3A_353, %select_n3A_349 : vector<1024x128xi1>, vector<1024x128xf32>
    %jit3A_356 = arith.constant 13 : i32
    %broadcast_in_dim3A_357 = vector.broadcast %jit3A_356 : i32 to vector<1024x128xi32>
    %select_n3A_358 = arith.select %lt3A_354, %broadcast_in_dim3A_357, %select_n3A_352 : vector<1024x128xi1>, vector<1024x128xi32>
    %slice3A_359 = vector.extract_strided_slice %sqrt3A_277 {offsets = [0, 1792], sizes = [1024, 128], strides = [1, 1]} : vector<1024x2048xf32> to vector<1024x128xf32>
    %lt3A_360 = arith.cmpf olt, %slice3A_359, %select_n3A_355 : vector<1024x128xf32>
    %select_n3A_361 = arith.select %lt3A_360, %slice3A_359, %select_n3A_355 : vector<1024x128xi1>, vector<1024x128xf32>
    %jit3A_362 = arith.constant 14 : i32
    %broadcast_in_dim3A_363 = vector.broadcast %jit3A_362 : i32 to vector<1024x128xi32>
    %select_n3A_364 = arith.select %lt3A_360, %broadcast_in_dim3A_363, %select_n3A_358 : vector<1024x128xi1>, vector<1024x128xi32>
    %slice3A_365 = vector.extract_strided_slice %sqrt3A_277 {offsets = [0, 1920], sizes = [1024, 128], strides = [1, 1]} : vector<1024x2048xf32> to vector<1024x128xf32>
    %lt3A_366 = arith.cmpf olt, %slice3A_365, %select_n3A_361 : vector<1024x128xf32>
    %select_n3A_367 = arith.select %lt3A_366, %slice3A_365, %select_n3A_361 : vector<1024x128xi1>, vector<1024x128xf32>
    %jit3A_368 = arith.constant 15 : i32
    %broadcast_in_dim3A_369 = vector.broadcast %jit3A_368 : i32 to vector<1024x128xi32>
    %select_n3A_370 = arith.select %lt3A_366, %broadcast_in_dim3A_369, %select_n3A_364 : vector<1024x128xi1>, vector<1024x128xi32>
    %reduce_min3A_371 = arith.constant dense<0x7F800000> : vector<1024xf32>
    %reduce_min3A_372 = vector.multi_reduction <minimumf>, %select_n3A_367, %reduce_min3A_371 [1] : vector<1024x128xf32> to vector<1024xf32>
    %broadcast_in_dim3A_373 = vector.shape_cast %reduce_min3A_372 : vector<1024xf32> to vector<1024x1xf32>
    %iota3A_374 = tpu.iota {dimensions = array<i32: 1>} : vector<1024x128xi32>
    %mul3A_375 = arith.constant 128 : i32
    %mul3A_376 = vector.broadcast %mul3A_375 : i32 to vector<1024x128xi32>
    %mul3A_377 = arith.muli %select_n3A_370, %mul3A_376 : vector<1024x128xi32>
    %add3A_378 = arith.addi %mul3A_377, %iota3A_374 : vector<1024x128xi32>
    %add3A_379 = arith.constant 4096 : i32
    %add3A_380 = vector.broadcast %add3A_379 : i32 to vector<1024x128xi32>
    %add3A_381 = arith.addi %add3A_378, %add3A_380 : vector<1024x128xi32>
    %eq3A_382 = vector.broadcast %broadcast_in_dim3A_373 : vector<1024x1xf32> to vector<1024x128xf32>
    %eq3A_383 = arith.cmpf oeq, %select_n3A_367, %eq3A_382 : vector<1024x128xf32>
    %jit3A_384 = arith.constant 8192 : i32
    %broadcast_in_dim3A_385 = vector.broadcast %jit3A_384 : i32 to vector<1024x128xi32>
    %select_n3A_386 = arith.select %eq3A_383, %add3A_381, %broadcast_in_dim3A_385 : vector<1024x128xi1>, vector<1024x128xi32>
    %reduce_min3A_387 = arith.constant dense<2147483647> : vector<1024xi32>
    %reduce_min3A_388 = vector.multi_reduction <minsi>, %select_n3A_386, %reduce_min3A_387 [1] : vector<1024x128xi32> to vector<1024xi32>
    %broadcast_in_dim3A_389 = vector.shape_cast %reduce_min3A_388 : vector<1024xi32> to vector<1024x1xi32>
    %convert_element_type3A_390 = arith.truncf %broadcast_in_dim3A_373 : vector<1024x1xf32> to vector<1024x1xbf16>
    %convert_element_type3A_391 = arith.extf %convert_element_type3A_390 : vector<1024x1xbf16> to vector<1024x1xf32>
    %lt3A_392 = arith.cmpf olt, %broadcast_in_dim3A_373, %select_n3A_257 : vector<1024x1xf32>
    %select_n3A_393 = arith.select %lt3A_392, %convert_element_type3A_391, %select_n3A_257 : vector<1024x1xi1>, vector<1024x1xf32>
    %select_n3A_394 = arith.select %lt3A_392, %broadcast_in_dim3A_389, %select_n3A_258 : vector<1024x1xi1>, vector<1024x1xi32>
    %get3A_395 = arith.constant 0 : index
    %get3A_396 = arith.constant 6144 : index
    %get3A_397 = vector.load %arg2[%get3A_395, %get3A_396] : memref<32x8192xbf16, #tpu.memory_space<vmem>>, vector<32x2048xbf16>
    %dot_general3A_398 = arith.constant dense<0.000000e+00> : vector<1024x2048xf32>
    %dot_general3A_399 = tpu.matmul %get3A_1, %get3A_397, %dot_general3A_398 {dimension_numbers = #tpu.dot_dimension_numbers<[1], [0], [0], [1], [0, 0, 1, 1], [], []>, transpose_lhs_hint = false} : vector<1024x32xbf16>, vector<32x2048xbf16>, vector<1024x2048xf32> -> vector<1024x2048xf32>
    %get3A_400 = arith.constant 0 : index
    %get3A_401 = arith.constant 6144 : index
    %get3A_402 = vector.load %arg4[%get3A_400, %get3A_401] : memref<1x8192xf32, #tpu.memory_space<vmem>>, vector<1x2048xf32>
    %add3A_403 = vector.broadcast %get3A_4 : vector<1024x1xf32> to vector<1024x2048xf32>
    %add3A_404 = vector.broadcast %get3A_402 : vector<1x2048xf32> to vector<1024x2048xf32>
    %add3A_405 = arith.addf %add3A_403, %add3A_404 : vector<1024x2048xf32>
    %mul3A_406 = arith.constant 2.000000e+00 : f32
    %mul3A_407 = vector.broadcast %mul3A_406 : f32 to vector<1024x2048xf32>
    %mul3A_408 = arith.mulf %mul3A_407, %dot_general3A_399 : vector<1024x2048xf32>
    %sub3A_409 = arith.subf %add3A_405, %mul3A_408 : vector<1024x2048xf32>
    %jit3A_410 = arith.constant 0.000000e+00 : f32
    %max3A_411 = vector.broadcast %jit3A_410 : f32 to vector<1024x2048xf32>
    %max3A_412 = arith.maximumf %max3A_411, %sub3A_409 : vector<1024x2048xf32>
    %sqrt3A_413 = math.sqrt %max3A_412 : vector<1024x2048xf32>
    %slice3A_414 = vector.extract_strided_slice %sqrt3A_413 {offsets = [0, 0], sizes = [1024, 128], strides = [1, 1]} : vector<1024x2048xf32> to vector<1024x128xf32>
    %broadcast_in_dim3A_415 = arith.constant 0 : i32
    %broadcast_in_dim3A_416 = vector.broadcast %broadcast_in_dim3A_415 : i32 to vector<1024x128xi32>
    %slice3A_417 = vector.extract_strided_slice %sqrt3A_413 {offsets = [0, 128], sizes = [1024, 128], strides = [1, 1]} : vector<1024x2048xf32> to vector<1024x128xf32>
    %lt3A_418 = arith.cmpf olt, %slice3A_417, %slice3A_414 : vector<1024x128xf32>
    %select_n3A_419 = arith.select %lt3A_418, %slice3A_417, %slice3A_414 : vector<1024x128xi1>, vector<1024x128xf32>
    %jit3A_420 = arith.constant 1 : i32
    %broadcast_in_dim3A_421 = vector.broadcast %jit3A_420 : i32 to vector<1024x128xi32>
    %select_n3A_422 = arith.select %lt3A_418, %broadcast_in_dim3A_421, %broadcast_in_dim3A_416 : vector<1024x128xi1>, vector<1024x128xi32>
    %slice3A_423 = vector.extract_strided_slice %sqrt3A_413 {offsets = [0, 256], sizes = [1024, 128], strides = [1, 1]} : vector<1024x2048xf32> to vector<1024x128xf32>
    %lt3A_424 = arith.cmpf olt, %slice3A_423, %select_n3A_419 : vector<1024x128xf32>
    %select_n3A_425 = arith.select %lt3A_424, %slice3A_423, %select_n3A_419 : vector<1024x128xi1>, vector<1024x128xf32>
    %jit3A_426 = arith.constant 2 : i32
    %broadcast_in_dim3A_427 = vector.broadcast %jit3A_426 : i32 to vector<1024x128xi32>
    %select_n3A_428 = arith.select %lt3A_424, %broadcast_in_dim3A_427, %select_n3A_422 : vector<1024x128xi1>, vector<1024x128xi32>
    %slice3A_429 = vector.extract_strided_slice %sqrt3A_413 {offsets = [0, 384], sizes = [1024, 128], strides = [1, 1]} : vector<1024x2048xf32> to vector<1024x128xf32>
    %lt3A_430 = arith.cmpf olt, %slice3A_429, %select_n3A_425 : vector<1024x128xf32>
    %select_n3A_431 = arith.select %lt3A_430, %slice3A_429, %select_n3A_425 : vector<1024x128xi1>, vector<1024x128xf32>
    %jit3A_432 = arith.constant 3 : i32
    %broadcast_in_dim3A_433 = vector.broadcast %jit3A_432 : i32 to vector<1024x128xi32>
    %select_n3A_434 = arith.select %lt3A_430, %broadcast_in_dim3A_433, %select_n3A_428 : vector<1024x128xi1>, vector<1024x128xi32>
    %slice3A_435 = vector.extract_strided_slice %sqrt3A_413 {offsets = [0, 512], sizes = [1024, 128], strides = [1, 1]} : vector<1024x2048xf32> to vector<1024x128xf32>
    %lt3A_436 = arith.cmpf olt, %slice3A_435, %select_n3A_431 : vector<1024x128xf32>
    %select_n3A_437 = arith.select %lt3A_436, %slice3A_435, %select_n3A_431 : vector<1024x128xi1>, vector<1024x128xf32>
    %jit3A_438 = arith.constant 4 : i32
    %broadcast_in_dim3A_439 = vector.broadcast %jit3A_438 : i32 to vector<1024x128xi32>
    %select_n3A_440 = arith.select %lt3A_436, %broadcast_in_dim3A_439, %select_n3A_434 : vector<1024x128xi1>, vector<1024x128xi32>
    %slice3A_441 = vector.extract_strided_slice %sqrt3A_413 {offsets = [0, 640], sizes = [1024, 128], strides = [1, 1]} : vector<1024x2048xf32> to vector<1024x128xf32>
    %lt3A_442 = arith.cmpf olt, %slice3A_441, %select_n3A_437 : vector<1024x128xf32>
    %select_n3A_443 = arith.select %lt3A_442, %slice3A_441, %select_n3A_437 : vector<1024x128xi1>, vector<1024x128xf32>
    %jit3A_444 = arith.constant 5 : i32
    %broadcast_in_dim3A_445 = vector.broadcast %jit3A_444 : i32 to vector<1024x128xi32>
    %select_n3A_446 = arith.select %lt3A_442, %broadcast_in_dim3A_445, %select_n3A_440 : vector<1024x128xi1>, vector<1024x128xi32>
    %slice3A_447 = vector.extract_strided_slice %sqrt3A_413 {offsets = [0, 768], sizes = [1024, 128], strides = [1, 1]} : vector<1024x2048xf32> to vector<1024x128xf32>
    %lt3A_448 = arith.cmpf olt, %slice3A_447, %select_n3A_443 : vector<1024x128xf32>
    %select_n3A_449 = arith.select %lt3A_448, %slice3A_447, %select_n3A_443 : vector<1024x128xi1>, vector<1024x128xf32>
    %jit3A_450 = arith.constant 6 : i32
    %broadcast_in_dim3A_451 = vector.broadcast %jit3A_450 : i32 to vector<1024x128xi32>
    %select_n3A_452 = arith.select %lt3A_448, %broadcast_in_dim3A_451, %select_n3A_446 : vector<1024x128xi1>, vector<1024x128xi32>
    %slice3A_453 = vector.extract_strided_slice %sqrt3A_413 {offsets = [0, 896], sizes = [1024, 128], strides = [1, 1]} : vector<1024x2048xf32> to vector<1024x128xf32>
    %lt3A_454 = arith.cmpf olt, %slice3A_453, %select_n3A_449 : vector<1024x128xf32>
    %select_n3A_455 = arith.select %lt3A_454, %slice3A_453, %select_n3A_449 : vector<1024x128xi1>, vector<1024x128xf32>
    %jit3A_456 = arith.constant 7 : i32
    %broadcast_in_dim3A_457 = vector.broadcast %jit3A_456 : i32 to vector<1024x128xi32>
    %select_n3A_458 = arith.select %lt3A_454, %broadcast_in_dim3A_457, %select_n3A_452 : vector<1024x128xi1>, vector<1024x128xi32>
    %slice3A_459 = vector.extract_strided_slice %sqrt3A_413 {offsets = [0, 1024], sizes = [1024, 128], strides = [1, 1]} : vector<1024x2048xf32> to vector<1024x128xf32>
    %lt3A_460 = arith.cmpf olt, %slice3A_459, %select_n3A_455 : vector<1024x128xf32>
    %select_n3A_461 = arith.select %lt3A_460, %slice3A_459, %select_n3A_455 : vector<1024x128xi1>, vector<1024x128xf32>
    %jit3A_462 = arith.constant 8 : i32
    %broadcast_in_dim3A_463 = vector.broadcast %jit3A_462 : i32 to vector<1024x128xi32>
    %select_n3A_464 = arith.select %lt3A_460, %broadcast_in_dim3A_463, %select_n3A_458 : vector<1024x128xi1>, vector<1024x128xi32>
    %slice3A_465 = vector.extract_strided_slice %sqrt3A_413 {offsets = [0, 1152], sizes = [1024, 128], strides = [1, 1]} : vector<1024x2048xf32> to vector<1024x128xf32>
    %lt3A_466 = arith.cmpf olt, %slice3A_465, %select_n3A_461 : vector<1024x128xf32>
    %select_n3A_467 = arith.select %lt3A_466, %slice3A_465, %select_n3A_461 : vector<1024x128xi1>, vector<1024x128xf32>
    %jit3A_468 = arith.constant 9 : i32
    %broadcast_in_dim3A_469 = vector.broadcast %jit3A_468 : i32 to vector<1024x128xi32>
    %select_n3A_470 = arith.select %lt3A_466, %broadcast_in_dim3A_469, %select_n3A_464 : vector<1024x128xi1>, vector<1024x128xi32>
    %slice3A_471 = vector.extract_strided_slice %sqrt3A_413 {offsets = [0, 1280], sizes = [1024, 128], strides = [1, 1]} : vector<1024x2048xf32> to vector<1024x128xf32>
    %lt3A_472 = arith.cmpf olt, %slice3A_471, %select_n3A_467 : vector<1024x128xf32>
    %select_n3A_473 = arith.select %lt3A_472, %slice3A_471, %select_n3A_467 : vector<1024x128xi1>, vector<1024x128xf32>
    %jit3A_474 = arith.constant 10 : i32
    %broadcast_in_dim3A_475 = vector.broadcast %jit3A_474 : i32 to vector<1024x128xi32>
    %select_n3A_476 = arith.select %lt3A_472, %broadcast_in_dim3A_475, %select_n3A_470 : vector<1024x128xi1>, vector<1024x128xi32>
    %slice3A_477 = vector.extract_strided_slice %sqrt3A_413 {offsets = [0, 1408], sizes = [1024, 128], strides = [1, 1]} : vector<1024x2048xf32> to vector<1024x128xf32>
    %lt3A_478 = arith.cmpf olt, %slice3A_477, %select_n3A_473 : vector<1024x128xf32>
    %select_n3A_479 = arith.select %lt3A_478, %slice3A_477, %select_n3A_473 : vector<1024x128xi1>, vector<1024x128xf32>
    %jit3A_480 = arith.constant 11 : i32
    %broadcast_in_dim3A_481 = vector.broadcast %jit3A_480 : i32 to vector<1024x128xi32>
    %select_n3A_482 = arith.select %lt3A_478, %broadcast_in_dim3A_481, %select_n3A_476 : vector<1024x128xi1>, vector<1024x128xi32>
    %slice3A_483 = vector.extract_strided_slice %sqrt3A_413 {offsets = [0, 1536], sizes = [1024, 128], strides = [1, 1]} : vector<1024x2048xf32> to vector<1024x128xf32>
    %lt3A_484 = arith.cmpf olt, %slice3A_483, %select_n3A_479 : vector<1024x128xf32>
    %select_n3A_485 = arith.select %lt3A_484, %slice3A_483, %select_n3A_479 : vector<1024x128xi1>, vector<1024x128xf32>
    %jit3A_486 = arith.constant 12 : i32
    %broadcast_in_dim3A_487 = vector.broadcast %jit3A_486 : i32 to vector<1024x128xi32>
    %select_n3A_488 = arith.select %lt3A_484, %broadcast_in_dim3A_487, %select_n3A_482 : vector<1024x128xi1>, vector<1024x128xi32>
    %slice3A_489 = vector.extract_strided_slice %sqrt3A_413 {offsets = [0, 1664], sizes = [1024, 128], strides = [1, 1]} : vector<1024x2048xf32> to vector<1024x128xf32>
    %lt3A_490 = arith.cmpf olt, %slice3A_489, %select_n3A_485 : vector<1024x128xf32>
    %select_n3A_491 = arith.select %lt3A_490, %slice3A_489, %select_n3A_485 : vector<1024x128xi1>, vector<1024x128xf32>
    %jit3A_492 = arith.constant 13 : i32
    %broadcast_in_dim3A_493 = vector.broadcast %jit3A_492 : i32 to vector<1024x128xi32>
    %select_n3A_494 = arith.select %lt3A_490, %broadcast_in_dim3A_493, %select_n3A_488 : vector<1024x128xi1>, vector<1024x128xi32>
    %slice3A_495 = vector.extract_strided_slice %sqrt3A_413 {offsets = [0, 1792], sizes = [1024, 128], strides = [1, 1]} : vector<1024x2048xf32> to vector<1024x128xf32>
    %lt3A_496 = arith.cmpf olt, %slice3A_495, %select_n3A_491 : vector<1024x128xf32>
    %select_n3A_497 = arith.select %lt3A_496, %slice3A_495, %select_n3A_491 : vector<1024x128xi1>, vector<1024x128xf32>
    %jit3A_498 = arith.constant 14 : i32
    %broadcast_in_dim3A_499 = vector.broadcast %jit3A_498 : i32 to vector<1024x128xi32>
    %select_n3A_500 = arith.select %lt3A_496, %broadcast_in_dim3A_499, %select_n3A_494 : vector<1024x128xi1>, vector<1024x128xi32>
    %slice3A_501 = vector.extract_strided_slice %sqrt3A_413 {offsets = [0, 1920], sizes = [1024, 128], strides = [1, 1]} : vector<1024x2048xf32> to vector<1024x128xf32>
    %lt3A_502 = arith.cmpf olt, %slice3A_501, %select_n3A_497 : vector<1024x128xf32>
    %select_n3A_503 = arith.select %lt3A_502, %slice3A_501, %select_n3A_497 : vector<1024x128xi1>, vector<1024x128xf32>
    %jit3A_504 = arith.constant 15 : i32
    %broadcast_in_dim3A_505 = vector.broadcast %jit3A_504 : i32 to vector<1024x128xi32>
    %select_n3A_506 = arith.select %lt3A_502, %broadcast_in_dim3A_505, %select_n3A_500 : vector<1024x128xi1>, vector<1024x128xi32>
    %reduce_min3A_507 = arith.constant dense<0x7F800000> : vector<1024xf32>
    %reduce_min3A_508 = vector.multi_reduction <minimumf>, %select_n3A_503, %reduce_min3A_507 [1] : vector<1024x128xf32> to vector<1024xf32>
    %broadcast_in_dim3A_509 = vector.shape_cast %reduce_min3A_508 : vector<1024xf32> to vector<1024x1xf32>
    %iota3A_510 = tpu.iota {dimensions = array<i32: 1>} : vector<1024x128xi32>
    %mul3A_511 = arith.constant 128 : i32
    %mul3A_512 = vector.broadcast %mul3A_511 : i32 to vector<1024x128xi32>
    %mul3A_513 = arith.muli %select_n3A_506, %mul3A_512 : vector<1024x128xi32>
    %add3A_514 = arith.addi %mul3A_513, %iota3A_510 : vector<1024x128xi32>
    %add3A_515 = arith.constant 6144 : i32
    %add3A_516 = vector.broadcast %add3A_515 : i32 to vector<1024x128xi32>
    %add3A_517 = arith.addi %add3A_514, %add3A_516 : vector<1024x128xi32>
    %eq3A_518 = vector.broadcast %broadcast_in_dim3A_509 : vector<1024x1xf32> to vector<1024x128xf32>
    %eq3A_519 = arith.cmpf oeq, %select_n3A_503, %eq3A_518 : vector<1024x128xf32>
    %jit3A_520 = arith.constant 8192 : i32
    %broadcast_in_dim3A_521 = vector.broadcast %jit3A_520 : i32 to vector<1024x128xi32>
    %select_n3A_522 = arith.select %eq3A_519, %add3A_517, %broadcast_in_dim3A_521 : vector<1024x128xi1>, vector<1024x128xi32>
    %reduce_min3A_523 = arith.constant dense<2147483647> : vector<1024xi32>
    %reduce_min3A_524 = vector.multi_reduction <minsi>, %select_n3A_522, %reduce_min3A_523 [1] : vector<1024x128xi32> to vector<1024xi32>
    %broadcast_in_dim3A_525 = vector.shape_cast %reduce_min3A_524 : vector<1024xi32> to vector<1024x1xi32>
    %lt3A_526 = arith.cmpf olt, %broadcast_in_dim3A_509, %select_n3A_393 : vector<1024x1xf32>
    %select_n3A_527 = arith.select %lt3A_526, %broadcast_in_dim3A_525, %select_n3A_394 : vector<1024x1xi1>, vector<1024x1xi32>
    %swap3A = arith.constant 0 : index
    %swap3A_528 = arith.constant 0 : index
    %swap3A_529 = vector.load %arg5[%swap3A, %swap3A_528] : memref<1024x1xi32, #tpu.memory_space<vmem>>, vector<1024x1xi32>
    tpu.vector_store %arg5[%swap3A, %swap3A_528], %select_n3A_527 {strides = array<i32>} : memref<1024x1xi32, #tpu.memory_space<vmem>>, vector<1024x1xi32>,
    return
  }
  func.func @transform_0(%arg0: i32) -> (i32, i32) {
    %c0_i32 = arith.constant 0 : i32
    %c0_i32_0 = arith.constant 0 : i32
    return %arg0, %c0_i32 : i32, i32
  }
  func.func @transform_1(%arg0: i32) -> (i32, i32) {
    %c0_i32 = arith.constant 0 : i32
    %c0_i32_0 = arith.constant 0 : i32
    %c0_i32_1 = arith.constant 0 : i32
    return %c0_i32, %c0_i32_0 : i32, i32
  }
  func.func @transform_2(%arg0: i32) -> (i32, i32) {
    %c0_i32 = arith.constant 0 : i32
    %c0_i32_0 = arith.constant 0 : i32
    return %arg0, %c0_i32 : i32, i32
  }
  func.func @transform_3(%arg0: i32) -> (i32, i32) {
    %c0_i32 = arith.constant 0 : i32
    %c0_i32_0 = arith.constant 0 : i32
    %c0_i32_1 = arith.constant 0 : i32
    return %c0_i32, %c0_i32_0 : i32, i32
  }
  func.func @transform_4(%arg0: i32) -> (i32, i32) {
    %c0_i32 = arith.constant 0 : i32
    %c0_i32_0 = arith.constant 0 : i32
    return %arg0, %c0_i32 : i32, i32
  }
}

</mosaic_0001>

<sc_bundles>
// kernel: kernel.4.cloned.1.call-start
scs
__scs_entry_jumppad:
0x0: {  	(pc) =	sbr.rel $0x88, $3  }
0x1: {  	(tag) =	ssettag $0x0;
	lr =	simm.s32 $0x1  }
0x2: {  	[smem:$0x3F9F] =	sst lr;
	_ =	strace $0xD0000000  }
0x3: {  	_ = 	snop  }
0x4: {  	_ = 	snop  }
0x5: {  	_ = 	snop  }
0x6: {  	_ = 	snop  }
0x7: {  	_ = 	snop  }
__scs_overlays_trampoline_lowered:
0x8: {  	[smem:$0x3FAE] =	sst s0  }
0x9: {  	[smem:$0x3FAF] =	sst s1  }
0xa: {  	[smem:$0x3FB0] =	sst s2  }
0xb: {  	[smem:$0x3FB1] =	sst s3  }
0xc: {  	[smem:$0x3FB2] =	sst s4  }
0xd: {  	[smem:$0x3FB3] =	sst s5  }
0xe: {  	[smem:$0x3FB4] =	sst s6  }
0xf: {  	[smem:$0x3FB5] =	sst s7  }
0x10: {  	[smem:$0x3FB6] =	sst s8  }
0x11: {  	[smem:$0x3FB7] =	sst s9;
	s0 =	simm.s32 @!p0 $0x0  }
0x12: {  	s1 =	sld [smem:$0x3F9D];
	s0 =	simm.s32 @p0 $0x1  }
0x13: {  	[smem:$0x3FB8] =	sst s0;
	s0 =	simm.s32 @!p1 $0x0  }
0x14: {  	s2 =	sld [smem:$0x3F9C];
	s0 =	simm.s32 @p1 $0x1  }
0x15: {  	[smem:$0x3FB9] =	sst s0;
	s0 =	simm.s32 @!p2 $0x0  }
0x16: {  	s3 =	sld [smem:$0x3FDB];
	s0 =	simm.s32 @p2 $0x1  }
0x17: {  	s4 =	simm.s32 $0x1BF5;
	[smem:$0x3FBB] =	sst s0  }
0x18: {  	s0 =	sld [smem:$0x3F9E];
	_ =	swait.ge [sflag:s4], $0x0  }
0x19: {  	s7 =	sld [smem:$0x3F9F]  }
0x1a: {  	s8 =	sadd.s32 $0xFFFFE003, lr  }
0x1b: {  	s9 =	sadd.s32 $0xFFFFFEF7, lr;
	s5 =	simm.s32 $0xFFFFFFFF;
	p2 =	slt.u32 s8, $0xFFFFF086  }
0x1c: {  	p1 =	slt.u32 s9, $0xF7A;
	s5 =	simm.s32 @!p2 $0x0  }
0x1d: {  	s5 =	simm.s32 @p1 $0x1;
	p0 =	seq.s32 s7, s2  }
0x1e: {  	s7 =	smul.u32 @!p0 $0xF7A, s2;
	p2 =	seq.s32 @!p0 s5, $0x0  }
0x1f: {  	s9 =	smul.u32 $0xF7A, s1;
	s8 =	simm.s32 @!p0 $0x1BF5;
	p2 =	por !p2, p0  }
0x20: {  	[sflag:s8] =	ssyncset.s32 @!p0 $0xFFFFF086;
	s6 =	sadd.s32 @!p0 s3, s7;
	s7 =	simm.s32 @!p0 $0x108  }
0x21: {  	s3 =	sadd.s32 s3, s9;
	s6 =	sadd.s32 @!p0 $0x88, s6;
	s7 =	simm.s32 @p2 $0x1082  }
0x22: {  	[simem:s7], [sflag:s8] =	dma.local @!p0 [hbm:s6], $0xF7A  }
0x23: {  	s9 =	sor.u32 $0xD0000000, s2;
	s6 =	simm.s32 $0x108;
	_ =	swait.ge @!p0 [sflag:s8], $0x0  }
0x24: {  	s3 =	sadd.s32 $0x88, s3;
	s6 =	simm.s32 @!p1 $0x1082;
	[sflag:s4] =	ssyncset.s32 $0xFFFFF086  }
0x25: {  	[simem:s6], [sflag:s4] =	dma.local [hbm:s3], $0xF7A  }
0x26: {  	[smem:$0x3F9F] =	sst s1;
	(tag) =	ssettag s2;
	_ =	strace s9  }
0x27: {  	s1 =	sld [smem:$0x3FAF]  }
0x28: {  	s2 =	sld [smem:$0x3FB0]  }
0x29: {  	s4 =	sld [smem:$0x3FB2]  }
0x2a: {  	p0 =	seq.s32 s5, $0x0;
	s5 =	sld [smem:$0x3FB3]  }
0x2b: {  	s6 =	sld [smem:$0x3FB4]  }
0x2c: {  	s7 =	sld [smem:$0x3FB5]  }
0x2d: {  	s3 =	simm.s32 $0x108;
	s8 =	sld [smem:$0x3FB6]  }
0x2e: {  	s3 =	simm.s32 @!p0 $0x1082;
	s9 =	sld [smem:$0x3FB7]  }
0x2f: {  	lr =	sadd.s32 s0, s3;
	s0 =	sld [smem:$0x3FAE]  }
0x30: {  	s3 =	sld [smem:$0x3FB1]  }
0x31: {  	[smem:$0x3FBA] =	sst s10  }
0x32: {  	s10 =	sld [smem:$0x3FB8];
	_ =	sdelay $0x3  }
0x33: {  	p0 =	seq.s32 s10, $0x1;
	s10 =	sld [smem:$0x3FBA];
	_ =	sdelay $0x3  }
0x34: {  	[smem:$0x3FBA] =	sst s10  }
0x35: {  	s10 =	sld [smem:$0x3FB9];
	_ =	sdelay $0x3  }
0x36: {  	p1 =	seq.s32 s10, $0x1;
	s10 =	sld [smem:$0x3FBA];
	_ =	sdelay $0x3  }
0x37: {  	[smem:$0x3FBA] =	sst s10  }
0x38: {  	s10 =	sld [smem:$0x3FBB]  }
0x39: {  	_ = 	snop;
	(pc) =	sbr.ind lr, $3  }
0x3a: {  	_ = 	snop  }
0x3b: {  	_ = 	snop  }
0x3c: {  	p2 =	seq.s32 s10, $0x1;
	s10 =	sld [smem:$0x3FBA]  }
0x3d: {  	_ =	shalt  }
0x3e: {  	_ =	shalt  }
0x3f: {  	_ =	shalt  }
0x40: {  	_ =	shalt  }
0x41: {  	_ =	shalt  }
0x42: {  	_ =	shalt  }
0x43: {  	_ =	shalt  }
0x44: {  	_ =	shalt  }
0x45: {  	_ =	shalt  }
0x46: {  	_ =	shalt  }
0x47: {  	_ =	shalt  }
0x48: {  	_ =	shalt  }
0x49: {  	_ =	shalt  }
0x4a: {  	_ =	shalt  }
0x4b: {  	_ =	shalt  }
0x4c: {  	_ =	shalt  }
0x4d: {  	_ =	shalt  }
0x4e: {  	_ =	shalt  }
0x4f: {  	_ =	shalt  }
0x50: {  	_ =	shalt  }
0x51: {  	_ =	shalt  }
0x52: {  	_ =	shalt  }
0x53: {  	_ =	shalt  }
0x54: {  	_ =	shalt  }
0x55: {  	_ =	shalt  }
0x56: {  	_ =	shalt  }
0x57: {  	_ =	shalt  }
0x58: {  	_ =	shalt  }
0x59: {  	_ =	shalt  }
0x5a: {  	_ =	shalt  }
0x5b: {  	_ =	shalt  }
0x5c: {  	_ =	shalt  }
0x5d: {  	_ =	shalt  }
0x5e: {  	_ =	shalt  }
0x5f: {  	_ =	shalt  }
0x60: {  	_ =	shalt  }
0x61: {  	_ =	shalt  }
0x62: {  	_ =	shalt  }
0x63: {  	_ =	shalt  }
0x64: {  	_ =	shalt  }
0x65: {  	_ =	shalt  }
0x66: {  	_ =	shalt  }
0x67: {  	_ =	shalt  }
0x68: {  	_ =	shalt  }
0x69: {  	_ =	shalt  }
0x6a: {  	_ =	shalt  }
0x6b: {  	_ =	shalt  }
0x6c: {  	_ =	shalt  }
0x6d: {  	_ =	shalt  }
0x6e: {  	_ =	shalt  }
0x6f: {  	_ =	shalt  }
0x70: {  	_ =	shalt  }
0x71: {  	_ =	shalt  }
0x72: {  	_ =	shalt  }
0x73: {  	_ =	shalt  }
0x74: {  	_ =	shalt  }
0x75: {  	_ =	shalt  }
0x76: {  	_ =	shalt  }
0x77: {  	_ =	shalt  }
0x78: {  	_ =	shalt  }
0x79: {  	_ =	shalt  }
0x7a: {  	_ =	shalt  }
0x7b: {  	_ =	shalt  }
0x7c: {  	_ =	shalt  }
0x7d: {  	_ =	shalt  }
0x7e: {  	_ =	shalt  }
0x7f: {  	_ =	shalt  }
0x80: {  	_ =	shalt  }
0x81: {  	_ =	shalt  }
0x82: {  	_ =	shalt  }
0x83: {  	_ =	shalt  }
0x84: {  	_ =	shalt  }
0x85: {  	_ =	shalt  }
0x86: {  	_ =	shalt  }
0x87: {  	_ =	shalt  }
.Lfunc_end0:
.L_simem_size_0:
called_computation_lowered:
.L_overlay_start_0:
0x88: {  	s2 =	sld [smem:$0x3FD9]  }
0x89: {  	s3 =	sld [smem:$0x3FFE];
	_ =	sdelay $0x1  }
0x8a: {  	s1 =	srdreg.scid  }
0x8b: {  	s0 =	sand.u32 $0x1, s1  }
0x8c: {  	s14 =	sshll.u32 s0, $0xA;
	s2 =	sadd.s32 s3, s2  }
0x8d: {  	s2 =	sadd.s32 s2, s14  }
0x8e: {  	[smem:$0x3FC6] =	sst s2  }
0x8f: {  	_ = 	snop  }
0x90: {  	s2 =	sld [smem:$0x3FD0];
	_ =	sdelay $0x2  }
0x91: {  	s15 =	simm.s32 $0xA;
	s4 =	simm.s32 $0x10  }
0x92: {  	[smem:s4], [sflag:s15] =	dma.local [hbm:s2], $0x1  }
0x93: {  	_ =	swait.eq [sflag:s15], $0x1  }
0x94: {  	[sflag:s15] =	ssyncset.done $0x0  }
0x95: {  	[sflag:s15] =	ssyncadd.s32 $0xFFFFFFFF  }
0x96: {  	s16 =	sld [smem:$0x10];
	(tm) =	ssettm $0x1  }
0x97: {  	s17 =	sld [smem:$0x3FFB];
	_ =	sdelay $0x3  }
0x98: {  	_ =	strace s17  }
0x99: {  	s3 =	sld [smem:$0x3FFC];
	_ =	sdelay $0x3  }
0x9a: {  	_ =	strace s3  }
0x9b: {  	s3 =	sld [smem:$0x3FFD];
	_ =	sdelay $0x3  }
0x9c: {  	_ =	strace s3  }
0x9d: {  	_ =	strace $0x8FFFFFFF  }
0x9e: {  	s18 =	sld [smem:$0x3FDB];
	_ =	sdelay $0x1  }
0x9f: {  	s19 =	simm.s32 $_scs_section_size  }
0xa0: {  	s5 =	simm.s32 $_size__tile_overlayer_lowered;
	s6 =	simm.s32 $_tile_overlayer_lowered  }
0xa1: {  	s22 =	simm.s32 $0x1BFF;
	s21 =	sshll.u32 s6, $0x1;
	s3 =	sadd.s32 s19, s18  }
0xa2: {  	s7 =	simm.s32 $0x0;
	s20 =	sshll.u32 s5, $0x1;
	s5 =	sadd.s32 s21, s3  }
0xa3: {  	[timem:s7], [sflag:s22] =	dma.local [hbm:s5], s20  }
0xa4: {  	_ =	swait.ge [sflag:s22], s20  }
0xa5: {  	s4 =	ssub.s32 $0x0, s20;
	[sflag:s22] =	ssyncset.done $0x0  }
0xa6: {  	[sflag:s22] =	ssyncadd.s32 s4;
	_ =	sdelay $0x1  }
0xa7: {  	s23 =	simm.s32 $0x1B8B  }
0xa8: {  	_ =	swait.ge [sflag:s23], $0x1  }
0xa9: {  	[sflag:s23] =	ssyncset.done $0x0  }
0xaa: {  	s25 =	simm.s32 $0x1B8E;
	s24 =	sld [smem:$0x3FFE];
	[sflag:s23] =	ssyncadd.s32 $0xFFFFFFFF  }
0xab: {  	s26 =	simm.s32 $execute0_lowered;
	[smem:$0x3FD2] =	sst s25  }
0xac: {  	s5 =	sshll.u32 s26, $0x1;
	_ =	strace $0x80000046;
	[dreg:$0x1] =	wrdreg $0xFFFFFFFF  }
0xad: {  	s28 =	simm.s32 $_size_execute0_lowered;
	s3 =	sadd.s32 s3, s5;
	[dreg:$0x0] =	wrdreg $0x0  }
0xae: {  	s5 =	sshll.u32 s28, $0x1;
	[dreg:$0x2] =	wrdreg s3  }
0xaf: {  	[dreg:$0x3] =	wrdreg s5  }
0xb0: {  	[dreg:$0x4] =	wrdreg $0xC0  }
0xb1: {  	_ =	task [dreg:s7], $0x5FFFF  }
0xb2: {  	[dreg:$0x1] =	wrdreg $0xFFFFFFFF  }
0xb3: {  	[dreg:$0x0] =	wrdreg $0x60  }
0xb4: {  	[dreg:$0x2] =	wrdreg s16  }
0xb5: {  	[dreg:$0x3] =	wrdreg s24  }
0xb6: {  	[dreg:$0x4] =	wrdreg $0x9  }
0xb7: {  	_ =	task.clear_ibuf [dreg:s7], $0x5FFFF;
	_ =	strace $0x90000046  }
0xb8: {  	s29 =	simm.s32 $0x9;
	_ =	strace $0x80000048  }
0xb9: {  	_ =	swait.ge [sflag:s29], $0x1  }
0xba: {  	[sflag:s29] =	ssyncadd.s32 $0xFFFFFFFF  }
0xbb: {  	_ =	strace $0x90000048  }
0xbc: {  	_ =	sfence  }
0xbd: {  	s30 =	sld [smem:$0x0];
	_ =	sdelay $0x2  }
0xbe: {  	s31 =	sshll.u32 s1, $0xD;
	s1 =	sshrl.u32 s1, $0x2  }
0xbf: {  	s3 =	sand.u32 $0x4000, s31;
	s1 =	sadd.s32 s1, s30  }
0xc0: {  	s0 =	sor.u32 s3, s0;
	s1 =	sshll.u32 s1, $0x11  }
0xc1: {  	s0 =	sor.u32 s1, s0  }
0xc2: {  	s0 =	sadd.s32 $0x8F2B, s0  }
0xc3: {  	[sflag:s0] =	ssyncadd.remote.s32 $0x1  }
0xc4: {  	_ =	sfence.sel $0xFFFF  }
0xc5: {  	[dreg:$0x0] =	wrdreg $0xFFFFFFFF;
	(pc) =	sbr.abs _section_cstart, $3  }
0xc6: {  	[dreg:$0x1] =	wrdreg $0xFFFFFFFF  }
0xc7: {  	_ =	task.clear_ibuf [dreg:s7], $0x2FFFF;
	_ =	strace $0x9FFFFFFF  }
0xc8: {  	(tm) =	ssettm $0x7FFFFFFF  }
0xc9: {  	_ =	shalt  }
tec
execute0_lowered:
.L_overlay_start_1:
0x0: {  	(tag) =	ssettag $0x1  }
0x1: {  	s1 =	srdreg.scid;
	s2 =	rddreg [dreg:$0x0]  }
0x2: {  	s0 =	stileid.u32;
	s8 =	rddreg [dreg:$0x1];
	s6 =	sand.u32 $0x1, s1  }
0x3: {  	s3 =	simm.s32 $0x0;
	s4 =	sshll.u32 s0, $0x9;
	s5 =	sshll.u32 s6, $0x8  }
0x4: {  	s7 =	simm.s32 $0x1;
	[smem:$0x7FF] =	sst s3;
	s9 =	sor.u32 s5, s4  }
0x5: {  	s1 =	rddreg [dreg:$0x2];
	_ =	strace $0x80000047;
	s4 =	sshrl.u32 s9, $0x3  }
0x6: {  	s10 =	ssub.s32 $0x2, s6;
	s5 =	sadd.s32 s8, s4;
	s4 =	simm.s32 $0x2  }
0x7: {  	[tilespmem:s3], [sflag:$0x2] =	stream.linear.gather [hbm4b:s5+s3], $0x100, $0x38;
	[tilespmem:$0x8100] =	vst v63  }
0x8: {  	s6 =	simm.s32 $0x100;
	s11 =	sshrl.u32 s10, $0x1;
	_ =	swait.ge [sflag:s4], $0x100  }
0x9: {  	s9 =	sshll.u32 s9, $0x4;
	s31 =	ssub.s32 s10, s11;
	[sflag:s4] =	ssyncset.done $0x0  }
0xa: {  	s8 =	sadd.s32 s9, s8;
	s9 =	smax.u32 s31, $0x1;
	[sflag:s4] =	ssyncadd.s32 $0xFFFFFF00  }
0xb: {  	[tilespmem:s6], [sflag:$0x1] =	stream.indirect.gather [hbm4b:s2+s6], $0x80, s3, s6, $0xb8;
	[tilespmem:$0x8100] =	vst v63  }
0xc: {  	p0 =	sne.s32 s9, $0x1;
	_ =	swait.ge [sflag:s7], $0x8000  }
.Ltmp0:
0xd: {  	[sflag:s7] =	ssyncset.done $0x0;
	(pc) =	sbr.rel @!p0 .LBB2_2-.Ltmp0, $4  }
0xe: {  	s8 =	sadd.s32 $0x400, s8;
	[sflag:s7] =	ssyncadd.s32 $0xFFFF8000  }
0xf: {  	[hbm4b:s8+s3] =	stream.linear.scatter [tilespmem:s6], [sflag:$0x2], $0x8000, $0x38;
	[tilespmem:$0x8100] =	vst v63  }
0x10: {  	_ =	swait.ge [sflag:s4], $0x8000  }
0x11: {  	s9 =	sadd.s32 $0xFFFFFFFF, s9;
	[sflag:s4] =	ssyncset.done $0x0  }
.LBB2_1:
0x12: {  	p0 =	sne.s32 s9, $0x1;
	s9 =	sadd.s32 $0xFFFFFFFF, s9;
	[sflag:s4] =	ssyncadd.s32 $0xFFFF8000  }
0x13: {  	[tilespmem:s3], [sflag:$0x2] =	stream.linear.gather [hbm4b:s5+s3], $0x100, $0x38;
	[tilespmem:$0x8100] =	vst v63  }
0x14: {  	_ =	swait.ge [sflag:s4], $0x100  }
0x15: {  	[sflag:s4] =	ssyncset.done $0x0  }
0x16: {  	[sflag:s4] =	ssyncadd.s32 $0xFFFFFF00  }
0x17: {  	[tilespmem:s6], [sflag:$0x1] =	stream.indirect.gather [hbm4b:s2+s6], $0x80, s3, s6, $0xb8;
	[tilespmem:$0x8100] =	vst v63  }
0x18: {  	_ =	swait.ge [sflag:s7], $0x8000  }
.Ltmp1:
0x19: {  	[sflag:s7] =	ssyncset.done $0x0;
	(pc) =	sbr.rel @p0 .LBB2_1-.Ltmp1, $4  }
0x1a: {  	[sflag:s7] =	ssyncadd.s32 $0xFFFF8000  }
0x1b: {  	[hbm4b:s8+s3] =	stream.linear.scatter [tilespmem:s6], [sflag:$0x2], $0x8000, $0x38;
	[tilespmem:$0x8100] =	vst v63  }
0x1c: {  	_ =	swait.ge [sflag:s4], $0x8000  }
0x1d: {  	[sflag:s4] =	ssyncset.done $0x0  }
.LBB2_2:
0x1e: {  	[sflag:s4] =	ssyncadd.s32 $0xFFFF8000  }
0x1f: {  	_ =	sfence.sel $0x180000  }
0x20: {  	[bflag:$0x0] =	sbarrier.arrive $0xFFFF  }
0x21: {  	p0 =	sne.s32 s0, $0x0;
	_ =	strace $0x90000047  }
0x22: {  	s0 =	sadd.s32 @!p0 $0x100000, s1;
	[bflag:$0x2] =	sbarrier.arrive $0xFFFF  }
0x23: {  	[sflag:s0] =	ssyncadd.tile.s32 @!p0 $0x1;
	_ =	shalt  }
.Lfunc_end2:
_tile_overlayer_lowered:
.L_overlay_start_2:
0x24: {  	(tag) =	ssettag $0x2  }
0x25: {  	s0 =	rddreg [dreg:$0x0];
	s2 =	stileid.u32  }
0x26: {  	s1 =	rddreg [dreg:$0x1];
	p0 =	sne.s32 s2, $0x0  }
0x27: {  	s3 =	rddreg [dreg:$0x2];
	[bflag:$0x3] =	sbarrier.arrive $0xFFFF;
	s2 =	simm.s32 @!p0 $0x1C02  }
0x28: {  	[timem:s3], [sflag:s2] =	dma.local @!p0 [hbm:s0], s1  }
0x29: {  	s0 =	simm.s32 @!p0 $0x2  }
0x2a: {  	_ =	swait.ge @!p0 [sflag:s0], s1  }
0x2b: {  	s1 =	ssub.s32 @!p0 $0x0, s1;
	[sflag:s0] =	ssyncset.done @!p0 $0x0  }
0x2c: {  	[sflag:s0] =	ssyncadd.s32 @!p0 s1  }
0x2d: {  	[bflag:$0x3] =	sbarrier.arrive $0xFFFF  }
0x2e: {  	_ =	shalt  }

</sc_bundles>
